<compile_context>
chip_gen: v7x
topology: tpu7x:2x2x1
jax: 0.10.2.dev20260603
libtpu: 0.0.44.dev20260713+nightly
codegen_flags: <defaults>
</compile_context>

<pallas_src>
import functools
import jax
import jax.numpy as jnp
from jax import lax
from jax.experimental import pallas as pl
from jax.experimental.pallas import tpu as pltpu
from jax.experimental.pallas import tpu_sc as plsc

_T, _D, _H, _E = 2048, 768, 1536, 8
_EPS = 1e-5
_BS = 512
_NB = (2 * _T) // _BS + _E
_SPAD = _NB * _BS
_CH = 256
_WW = 128

_NC = 2
_NS = 16
_NW = _NC * _NS
_RPW = _T // _NW


def _route_kernel(x_ref, g_ref, bta_ref, rw_ref, rb_ref,
                  xn_ref, pos0_ref, pos1_ref, wp0_ref, wp1_ref, be_ref,
                  bv_ref, cex_ref):
    xx = x_ref[...]
    mu = jnp.mean(xx, axis=1, keepdims=True)
    xc = xx - mu
    var = jnp.mean(xc * xc, axis=1, keepdims=True)
    xn = xc * lax.rsqrt(var + _EPS)
    xn = xn * g_ref[...][None, :] + bta_ref[...][None, :]
    xn_ref[...] = xn

    logits = jnp.dot(xn, rw_ref[...],
                     preferred_element_type=jnp.float32) + rb_ref[...][None, :]
    ids = lax.broadcasted_iota(jnp.int32, (_T, _E), 1)
    m1 = jnp.max(logits, axis=1, keepdims=True)
    i1 = jnp.min(jnp.where(logits == m1, ids, _E), axis=1, keepdims=True)
    l2 = jnp.where(ids == i1, -jnp.inf, logits)
    m2 = jnp.max(l2, axis=1, keepdims=True)
    i2 = jnp.min(jnp.where(l2 == m2, ids, _E), axis=1, keepdims=True)
    e2 = jnp.exp(m2 - m1)
    denom = 1.0 + e2
    w0 = 1.0 / denom
    w1 = e2 / denom
    col0 = lax.broadcasted_iota(jnp.int32, (1, _WW), 1) == 0
    wp0_ref[...] = jnp.where(col0, w0, 0.0)
    wp1_ref[...] = jnp.where(col0, w1, 0.0)

    hit1 = ids == i1
    hit2 = ids == i2
    m_bf = (jnp.where(hit1, 1.0, 0.0)
            + jnp.where(hit2, 1.0, 0.0)).astype(jnp.bfloat16)

    rr = lax.broadcasted_iota(jnp.int32, (_CH, _CH), 0)
    cc = lax.broadcasted_iota(jnp.int32, (_CH, _CH), 1)
    tri = jnp.where(cc < rr, 1.0, 0.0).astype(jnp.bfloat16)
    carry = jnp.zeros((1, _E), jnp.float32)
    for c in range(_T // _CH):
        mc = lax.slice(m_bf, (c * _CH, 0), ((c + 1) * _CH, _E))
        cex_ref[pl.ds(c * _CH, _CH), :] = (
            jnp.dot(tri, mc, preferred_element_type=jnp.float32) + carry)
        carry = carry + jnp.sum(mc.astype(jnp.float32), axis=0, keepdims=True)

    cnt_row = carry
    nblk_row = jnp.ceil(cnt_row * (1.0 / _BS))
    eu = lax.broadcasted_iota(jnp.int32, (_E, _E), 0)
    ev = lax.broadcasted_iota(jnp.int32, (_E, _E), 1)
    upper = jnp.where(eu < ev, 1.0, 0.0)
    bs_row = jnp.dot(nblk_row, upper,
                     preferred_element_type=jnp.float32)
    nbtot = jnp.sum(nblk_row, axis=1, keepdims=True)
    base_row = bs_row * float(_BS)

    posf = base_row + cex_ref[...]
    p0 = jnp.sum(jnp.where(hit1, posf, 0.0), axis=1, keepdims=True)
    p1 = jnp.sum(jnp.where(hit2, posf, 0.0), axis=1, keepdims=True)
    pos0_ref[...] = p0.astype(jnp.int32).reshape(_T)
    pos1_ref[...] = p1.astype(jnp.int32).reshape(_T)

    ones_t1 = jnp.zeros((_T, 1), jnp.float32) + 1.0
    cnt_col = lax.dot_general(m_bf.astype(jnp.float32), ones_t1,
                              (((0,), (0,)), ((), ())))
    nblk_col = jnp.ceil(cnt_col * (1.0 / _BS))
    bs_col = lax.dot_general(upper, nblk_col,
                             (((0,), (0,)), ((), ())))
    ib = lax.broadcasted_iota(jnp.int32, (_E, _NB), 1).astype(jnp.float32)
    be_raw = jnp.sum(jnp.where(bs_col <= ib, 1.0, 0.0),
                     axis=0, keepdims=True) - 1.0
    ibr = lax.broadcasted_iota(jnp.int32, (1, _NB), 1).astype(jnp.float32)
    bv = jnp.where(ibr < nbtot, 1, 0)
    belast = jnp.sum(jnp.where(bs_col <= (nbtot - 1.0), 1.0, 0.0),
                     axis=0, keepdims=True) - 1.0
    be_ref[...] = jnp.where(bv == 1, be_raw, belast).astype(jnp.int32).reshape(_NB)
    bv_ref[...] = bv.astype(jnp.int32).reshape(_NB)


def _route(x, g2, bta2, rw, rb2):
    full = lambda shape: pl.BlockSpec(shape, lambda: (0,) * len(shape))
    return pl.pallas_call(
        _route_kernel,
        grid=(),
        in_specs=[full((_T, _D)), full((_D,)), full((_D,)),
                  full((_D, _E)), full((_E,))],
        out_specs=[full((_T, _D)), full((_T,)), full((_T,)),
                   full((_T, _WW)), full((_T, _WW)), full((_NB,)),
                   full((_NB,))],
        out_shape=[
            jax.ShapeDtypeStruct((_T, _D), jnp.float32),
            jax.ShapeDtypeStruct((_T,), jnp.int32),
            jax.ShapeDtypeStruct((_T,), jnp.int32),
            jax.ShapeDtypeStruct((_T, _WW), jnp.float32),
            jax.ShapeDtypeStruct((_T, _WW), jnp.float32),
            jax.ShapeDtypeStruct((_NB,), jnp.int32),
            jax.ShapeDtypeStruct((_NB,), jnp.int32),
        ],
        scratch_shapes=[pltpu.VMEM((_T, _E), jnp.float32)],
    )(x, g2, bta2, rw, rb2)


def _scatter_rows(xn, wp0, wp1, pos0, pos1):
    mesh = plsc.VectorSubcoreMesh(core_axis_name="c", subcore_axis_name="s")

    @functools.partial(
        pl.kernel, mesh=mesh,
        out_type=[jax.ShapeDtypeStruct((_SPAD, _D), jnp.float32),
                  jax.ShapeDtypeStruct((_SPAD, _WW), jnp.float32)],
        scratch_types=[pltpu.VMEM((_RPW,), jnp.int32),
                       pltpu.VMEM((_RPW, _D), jnp.float32),
                       pltpu.VMEM((_RPW, _WW), jnp.float32),
                       pltpu.SemaphoreType.DMA],
    )
    def k(xn_hbm, wp0_hbm, wp1_hbm, p0_hbm, p1_hbm, xs_hbm, ws_hbm,
          idx_v, rows_v, wrow_v, sem):
        wid = lax.axis_index("s") * _NC + lax.axis_index("c")
        base = wid * _RPW
        pltpu.sync_copy(xn_hbm.at[pl.ds(base, _RPW)], rows_v)
        pltpu.sync_copy(p0_hbm.at[pl.ds(base, _RPW)], idx_v)
        pltpu.sync_copy(wp0_hbm.at[pl.ds(base, _RPW)], wrow_v)
        pltpu.async_copy(rows_v, xs_hbm.at[idx_v], sem).wait()
        pltpu.async_copy(wrow_v, ws_hbm.at[idx_v], sem).wait()
        pltpu.sync_copy(p1_hbm.at[pl.ds(base, _RPW)], idx_v)
        pltpu.sync_copy(wp1_hbm.at[pl.ds(base, _RPW)], wrow_v)
        pltpu.async_copy(rows_v, xs_hbm.at[idx_v], sem).wait()
        pltpu.async_copy(wrow_v, ws_hbm.at[idx_v], sem).wait()

    return k(xn, wp0, wp1, pos0, pos1)


def _ffn_kernel(be_ref, bv_ref, xs_ref, ws_ref, w1_ref, b1_ref, w2_ref,
                b2_ref, ys_ref, w1s_ref, w2s_ref):
    i = pl.program_id(0)

    @pl.when(bv_ref[i] == 1)
    def _():
        prev = be_ref[jnp.maximum(i - 1, 0)]

        @pl.when((i == 0) | (be_ref[i] != prev))
        def _():
            w1s_ref[...] = w1_ref[0].astype(jnp.bfloat16)
            w2s_ref[...] = w2_ref[0].astype(jnp.bfloat16)

        e = be_ref[i]
        xb = xs_ref[...].astype(jnp.bfloat16)
        hh = _H // 2
        yb = b2_ref[pl.ds(e, 1), :] * 1.0
        b1e = b1_ref[pl.ds(e, 1), :]
        for p in range(2):
            w1h = w1s_ref[:, pl.ds(p * hh, hh)]
            b1h = lax.slice(b1e, (0, p * hh), (1, (p + 1) * hh))
            h = jnp.dot(xb, w1h, preferred_element_type=jnp.float32) + b1h
            h = 0.5 * h * (1.0 + lax.erf(h * 0.7071067811865476))
            yb = yb + jnp.dot(h.astype(jnp.bfloat16),
                              w2s_ref[pl.ds(p * hh, hh), :],
                              preferred_element_type=jnp.float32)
        ys_ref[...] = yb * ws_ref[:, 0:1]


def _ffn(be, bv, xs, ws, W1, b1, W2, b2):
    clamp = lambda i, be, bv: jnp.where(bv[i] == 1, i, 0)
    grid_spec = pltpu.PrefetchScalarGridSpec(
        num_scalar_prefetch=2,
        grid=(_NB,),
        in_specs=[
            pl.BlockSpec((_BS, _D), lambda i, be, bv: (clamp(i, be, bv), 0)),
            pl.BlockSpec((_BS, _WW), lambda i, be, bv: (clamp(i, be, bv), 0)),
            pl.BlockSpec((1, _D, _H), lambda i, be, bv: (be[i], 0, 0)),
            pl.BlockSpec((_E, _H), lambda i, be, bv: (0, 0)),
            pl.BlockSpec((1, _H, _D), lambda i, be, bv: (be[i], 0, 0)),
            pl.BlockSpec((_E, _D), lambda i, be, bv: (0, 0)),
        ],
        out_specs=pl.BlockSpec((_BS, _D), lambda i, be, bv: (i, 0)),
        scratch_shapes=[pltpu.VMEM((_D, _H), jnp.bfloat16),
                        pltpu.VMEM((_H, _D), jnp.bfloat16)],
    )
    return pl.pallas_call(
        _ffn_kernel,
        grid_spec=grid_spec,
        out_shape=jax.ShapeDtypeStruct((_SPAD, _D), jnp.float32),
        compiler_params=pltpu.CompilerParams(
            dimension_semantics=("arbitrary",)),
    )(be, bv, xs, ws, W1, b1, W2, b2)


def _gather_combine(ys, pos0, pos1):
    mesh = plsc.VectorSubcoreMesh(core_axis_name="c", subcore_axis_name="s")

    @functools.partial(
        pl.kernel, mesh=mesh,
        out_type=jax.ShapeDtypeStruct((_T, _D), jnp.float32),
        scratch_types=[pltpu.VMEM((_RPW,), jnp.int32),
                       pltpu.VMEM((_RPW,), jnp.int32),
                       pltpu.VMEM((_RPW // 2, _D), jnp.float32),
                       pltpu.VMEM((_RPW // 2, _D), jnp.float32),
                       pltpu.VMEM((_RPW // 2, _D), jnp.float32),
                       pltpu.VMEM((_RPW // 2, _D), jnp.float32),
                       pltpu.SemaphoreType.DMA,
                       pltpu.SemaphoreType.DMA,
                       pltpu.SemaphoreType.DMA,
                       pltpu.SemaphoreType.DMA],
    )
    def k(ys_hbm, p0_hbm, p1_hbm, y_hbm, idx0_v, idx1_v, a0_v, b0_v,
          a1_v, b1_v, s0, s1, s2, s3):
        wid = lax.axis_index("s") * _NC + lax.axis_index("c")
        base = wid * _RPW
        hp = _RPW // 2
        pltpu.sync_copy(p0_hbm.at[pl.ds(base, _RPW)], idx0_v)
        pltpu.sync_copy(p1_hbm.at[pl.ds(base, _RPW)], idx1_v)
        c0 = pltpu.async_copy(ys_hbm.at[idx0_v.at[pl.ds(0, hp)]], a0_v, s0)
        c1 = pltpu.async_copy(ys_hbm.at[idx1_v.at[pl.ds(0, hp)]], b0_v, s1)
        c2 = pltpu.async_copy(ys_hbm.at[idx0_v.at[pl.ds(hp, hp)]], a1_v, s2)
        c3 = pltpu.async_copy(ys_hbm.at[idx1_v.at[pl.ds(hp, hp)]], b1_v, s3)

        def add_store(a_v, b_v, off):
            @pl.loop(0, hp)
            def _(r):
                @pl.loop(0, _D, step=16)
                def _(cc):
                    slc = (pl.ds(r, 1), pl.ds(cc, 16))
                    a_v.at[*slc][...] = a_v.at[*slc][...] + b_v.at[*slc][...]
            pltpu.sync_copy(a_v, y_hbm.at[pl.ds(base + off, hp)])

        c0.wait()
        c1.wait()
        add_store(a0_v, b0_v, 0)
        c2.wait()
        c3.wait()
        add_store(a1_v, b1_v, hp)

    return k(ys, pos0, pos1)


def kernel(x, ln_gamma, ln_beta, router_W, router_b, W1, b1, W2, b2):
    xn, pos0, pos1, wp0, wp1, be2, bv2 = _route(
        x, ln_gamma, ln_beta, router_W, router_b)
    xs, ws = _scatter_rows(xn, wp0, wp1, pos0, pos1)
    ys = _ffn(be2, bv2, xs, ws, W1, b1, W2, b2)
    return _gather_combine(ys, pos0, pos1)

# --- scband reference (transcript-rebuilt; emitter-appended) ---
"""Pipeline reference for scband-mo-emlp-59639915872321 (READ-ONLY COPY).

The authoritative reference and input builder live on the scoring server;
editing this copy changes nothing except your own understanding.
"""

import jax, jax.numpy as jnp
import numpy as np

T = 2048
D = 768
H = 1536
E = 8
K = 2
EPS = 1e-05


def setup_inputs(seed: int = 0) -> dict:
    key = jax.random.key(seed)
    ks = jax.random.split(key, 6)
    x = jax.random.normal(ks[0], (T, D), dtype=jnp.float32)
    ln_gamma = jnp.ones((D,), dtype=jnp.float32)
    ln_beta = jnp.zeros((D,), dtype=jnp.float32)
    router_W = jax.random.normal(ks[1], (D, E), dtype=jnp.float32) * 0.02
    router_b = jnp.zeros((E,), dtype=jnp.float32)
    W1 = jax.random.normal(ks[2], (E, D, H), dtype=jnp.float32) * 0.02
    b1 = jnp.zeros((E, H), dtype=jnp.float32)
    W2 = jax.random.normal(ks[3], (E, H, D), dtype=jnp.float32) * 0.02
    b2 = jnp.zeros((E, D), dtype=jnp.float32)
    return {
        "x": x,
        "ln_gamma": ln_gamma,
        "ln_beta": ln_beta,
        "router_W": router_W,
        "router_b": router_b,
        "W1": W1,
        "b1": b1,
        "W2": W2,
        "b2": b2,
    }


def reference(x, ln_gamma, ln_beta, router_W, router_b, W1, b1, W2, b2):
    # pre-LayerNorm (torch nn.LayerNorm: biased variance, eps inside sqrt)
    mu = jnp.mean(x, axis=-1, keepdims=True)
    var = jnp.var(x, axis=-1, keepdims=True)
    xn = (x - mu) / jnp.sqrt(var + EPS) * ln_gamma + ln_beta

    # router + top-k gate, softmax over the selected logits
    logits = xn @ router_W + router_b
    top_vals, top_idx = jax.lax.top_k(logits, K)
    weights = jax.nn.softmax(top_vals, axis=-1)

    # scatter gate weights into full [T, E] matrix (zeros elsewhere)
    n_tok = x.shape[0]
    w_full = jnp.zeros((n_tok, E), dtype=x.dtype)
    w_full = w_full.at[jnp.arange(n_tok)[:, None], top_idx].set(weights)

    # streaming expert mixture: y += expert_e(xn) * w_e
    y = jnp.zeros((n_tok, D), dtype=x.dtype)
    for e in range(E):
        h = jax.nn.gelu(xn @ W1[e] + b1[e], approximate=False)
        y_e = h @ W2[e] + b2[e]
        y = y + y_e * w_full[:, e][:, None]
    return y

if __name__ == "__main__":
    import jax
    _d = setup_inputs()
    print(jax.jit(kernel)(*tuple(_d.values())))

</pallas_src>

<mosaic_0001>
#map = affine_map<(d0, d1) -> (0, 0)>
#map1 = affine_map<(d0, d1) -> (0)>
module attributes {stable_mosaic.version = 14 : i64} {
  func.func @k(%arg0: i32, %arg1: i32, %arg2: memref<8192x768xf32, #tpu.memory_space<hbm>>, %arg3: memref<2048xi32, #tpu.memory_space<hbm>>, %arg4: memref<2048xi32, #tpu.memory_space<hbm>>, %arg5: memref<2048x768xf32, #tpu.memory_space<hbm>>, %arg6: memref<64xi32, #tpu.memory_space<vmem>>, %arg7: memref<64xi32, #tpu.memory_space<vmem>>, %arg8: memref<32x768xf32, #tpu.memory_space<vmem>>, %arg9: memref<32x768xf32, #tpu.memory_space<vmem>>, %arg10: memref<32x768xf32, #tpu.memory_space<vmem>>, %arg11: memref<32x768xf32, #tpu.memory_space<vmem>>, %arg12: memref<!tpu.dma_semaphore, #tpu.memory_space<semaphore_mem>>, %arg13: memref<!tpu.dma_semaphore, #tpu.memory_space<semaphore_mem>>, %arg14: memref<!tpu.dma_semaphore, #tpu.memory_space<semaphore_mem>>, %arg15: memref<!tpu.dma_semaphore, #tpu.memory_space<semaphore_mem>>) attributes {dimension_semantics = [#tpu.dimension_semantics<core_parallel>, #tpu.dimension_semantics<subcore_parallel>], iteration_bounds = array<i64: 2, 16>, scalar_prefetch = 0 : i64, scratch_operands = 10 : i64, tpu.core_type = #tpu.core_type<sc_vector_subcore>, window_params = [{transform_indices = #map}, {transform_indices = #map1}, {transform_indices = #map1}, {transform_indices = #map}]} {
    %mul3A = arith.constant 2 : i32
    %mul3A_0 = arith.muli %arg1, %mul3A : i32
    %add3A = arith.addi %mul3A_0, %arg0 : i32
    %mul3A_1 = arith.constant 64 : i32
    %mul3A_2 = arith.muli %add3A, %mul3A_1 : i32
    "tpu.region"() ({
      %run_scoped3A = tpu.sem_alloc : memref<!tpu.dma_semaphore, #tpu.memory_space<semaphore_mem>>
      %dma_start3A_54 = tpu.memref_slice %arg3[%mul3A_2] : memref<2048xi32, #tpu.memory_space<hbm>> -> memref<64xi32, #tpu.memory_space<hbm>>
      %dma_start3A_55 = tpu.memref_slice %arg3[%mul3A_2] : memref<2048xi32, #tpu.memory_space<hbm>> -> memref<64xi32, #tpu.memory_space<hbm>>
      tpu.enqueue_dma source(%dma_start3A_55 : memref<64xi32, #tpu.memory_space<hbm>>) target(%arg6 : memref<64xi32, #tpu.memory_space<vmem>>) target_semaphore(%run_scoped3A : memref<!tpu.dma_semaphore, #tpu.memory_space<semaphore_mem>>)
      %dma_wait3A_56 = tpu.memref_slice %arg3[%mul3A_2] : memref<2048xi32, #tpu.memory_space<hbm>> -> memref<64xi32, #tpu.memory_space<hbm>>
      %dma_wait3A_57 = tpu.memref_slice %arg3[%mul3A_2] : memref<2048xi32, #tpu.memory_space<hbm>> -> memref<64xi32, #tpu.memory_space<hbm>>
      tpu.wait_dma2 semaphore(%run_scoped3A : memref<!tpu.dma_semaphore, #tpu.memory_space<semaphore_mem>>) src(%dma_wait3A_57 : memref<64xi32, #tpu.memory_space<hbm>>) dst(%arg6 : memref<64xi32, #tpu.memory_space<vmem>>)
      tpu.yield
    }) : () -> ()
    "tpu.region"() ({
      %run_scoped3A = tpu.sem_alloc : memref<!tpu.dma_semaphore, #tpu.memory_space<semaphore_mem>>
      %dma_start3A_54 = tpu.memref_slice %arg4[%mul3A_2] : memref<2048xi32, #tpu.memory_space<hbm>> -> memref<64xi32, #tpu.memory_space<hbm>>
      %dma_start3A_55 = tpu.memref_slice %arg4[%mul3A_2] : memref<2048xi32, #tpu.memory_space<hbm>> -> memref<64xi32, #tpu.memory_space<hbm>>
      tpu.enqueue_dma source(%dma_start3A_55 : memref<64xi32, #tpu.memory_space<hbm>>) target(%arg7 : memref<64xi32, #tpu.memory_space<vmem>>) target_semaphore(%run_scoped3A : memref<!tpu.dma_semaphore, #tpu.memory_space<semaphore_mem>>)
      %dma_wait3A_56 = tpu.memref_slice %arg4[%mul3A_2] : memref<2048xi32, #tpu.memory_space<hbm>> -> memref<64xi32, #tpu.memory_space<hbm>>
      %dma_wait3A_57 = tpu.memref_slice %arg4[%mul3A_2] : memref<2048xi32, #tpu.memory_space<hbm>> -> memref<64xi32, #tpu.memory_space<hbm>>
      tpu.wait_dma2 semaphore(%run_scoped3A : memref<!tpu.dma_semaphore, #tpu.memory_space<semaphore_mem>>) src(%dma_wait3A_57 : memref<64xi32, #tpu.memory_space<hbm>>) dst(%arg7 : memref<64xi32, #tpu.memory_space<vmem>>)
      tpu.yield
    }) : () -> ()
    %dma_start3A = arith.constant 0 : i32
    %dma_start3A_3 = tpu.memref_slice %arg6[%dma_start3A] : memref<64xi32, #tpu.memory_space<vmem>> -> memref<32xi32, #tpu.memory_space<vmem>>
    %dma_start3A_4 = arith.constant 0 : i32
    %dma_start3A_5 = arith.constant 0 : i32
    %dma_start3A_6 = tpu.memref_slice %arg2[%dma_start3A_4, %dma_start3A_5] : memref<8192x768xf32, #tpu.memory_space<hbm>> -> memref<8192x768xf32, #tpu.memory_space<hbm>>
    tpu.enqueue_indirect_dma source(%dma_start3A_6 : memref<8192x768xf32, #tpu.memory_space<hbm>>) target(%arg8 : memref<32x768xf32, #tpu.memory_space<vmem>>) offsets(%dma_start3A_3 : memref<32xi32, #tpu.memory_space<vmem>>) semaphore(%arg12 : memref<!tpu.dma_semaphore, #tpu.memory_space<semaphore_mem>>)
    %dma_start3A_7 = arith.constant 0 : i32
    %dma_start3A_8 = tpu.memref_slice %arg7[%dma_start3A_7] : memref<64xi32, #tpu.memory_space<vmem>> -> memref<32xi32, #tpu.memory_space<vmem>>
    %dma_start3A_9 = arith.constant 0 : i32
    %dma_start3A_10 = arith.constant 0 : i32
    %dma_start3A_11 = tpu.memref_slice %arg2[%dma_start3A_9, %dma_start3A_10] : memref<8192x768xf32, #tpu.memory_space<hbm>> -> memref<8192x768xf32, #tpu.memory_space<hbm>>
    tpu.enqueue_indirect_dma source(%dma_start3A_11 : memref<8192x768xf32, #tpu.memory_space<hbm>>) target(%arg9 : memref<32x768xf32, #tpu.memory_space<vmem>>) offsets(%dma_start3A_8 : memref<32xi32, #tpu.memory_space<vmem>>) semaphore(%arg13 : memref<!tpu.dma_semaphore, #tpu.memory_space<semaphore_mem>>)
    %dma_start3A_12 = arith.constant 32 : i32
    %dma_start3A_13 = tpu.memref_slice %arg6[%dma_start3A_12] : memref<64xi32, #tpu.memory_space<vmem>> -> memref<32xi32, #tpu.memory_space<vmem>>
    %dma_start3A_14 = arith.constant 0 : i32
    %dma_start3A_15 = arith.constant 0 : i32
    %dma_start3A_16 = tpu.memref_slice %arg2[%dma_start3A_14, %dma_start3A_15] : memref<8192x768xf32, #tpu.memory_space<hbm>> -> memref<8192x768xf32, #tpu.memory_space<hbm>>
    tpu.enqueue_indirect_dma source(%dma_start3A_16 : memref<8192x768xf32, #tpu.memory_space<hbm>>) target(%arg10 : memref<32x768xf32, #tpu.memory_space<vmem>>) offsets(%dma_start3A_13 : memref<32xi32, #tpu.memory_space<vmem>>) semaphore(%arg14 : memref<!tpu.dma_semaphore, #tpu.memory_space<semaphore_mem>>)
    %dma_start3A_17 = arith.constant 32 : i32
    %dma_start3A_18 = tpu.memref_slice %arg7[%dma_start3A_17] : memref<64xi32, #tpu.memory_space<vmem>> -> memref<32xi32, #tpu.memory_space<vmem>>
    %dma_start3A_19 = arith.constant 0 : i32
    %dma_start3A_20 = arith.constant 0 : i32
    %dma_start3A_21 = tpu.memref_slice %arg2[%dma_start3A_19, %dma_start3A_20] : memref<8192x768xf32, #tpu.memory_space<hbm>> -> memref<8192x768xf32, #tpu.memory_space<hbm>>
    tpu.enqueue_indirect_dma source(%dma_start3A_21 : memref<8192x768xf32, #tpu.memory_space<hbm>>) target(%arg11 : memref<32x768xf32, #tpu.memory_space<vmem>>) offsets(%dma_start3A_18 : memref<32xi32, #tpu.memory_space<vmem>>) semaphore(%arg15 : memref<!tpu.dma_semaphore, #tpu.memory_space<semaphore_mem>>)
    %dma_wait3A = arith.constant 0 : i32
    %dma_wait3A_22 = tpu.memref_slice %arg6[%dma_wait3A] : memref<64xi32, #tpu.memory_space<vmem>> -> memref<32xi32, #tpu.memory_space<vmem>>
    %dma_wait3A_23 = arith.constant 0 : i32
    %dma_wait3A_24 = arith.constant 0 : i32
    %dma_wait3A_25 = tpu.memref_slice %arg2[%dma_wait3A_23, %dma_wait3A_24] : memref<8192x768xf32, #tpu.memory_space<hbm>> -> memref<8192x768xf32, #tpu.memory_space<hbm>>
    tpu.wait_indirect_dma semaphore(%arg12 : memref<!tpu.dma_semaphore, #tpu.memory_space<semaphore_mem>>) src(%dma_wait3A_25 : memref<8192x768xf32, #tpu.memory_space<hbm>>) dst(%arg8 : memref<32x768xf32, #tpu.memory_space<vmem>>)
    %dma_wait3A_26 = arith.constant 0 : i32
    %dma_wait3A_27 = tpu.memref_slice %arg7[%dma_wait3A_26] : memref<64xi32, #tpu.memory_space<vmem>> -> memref<32xi32, #tpu.memory_space<vmem>>
    %dma_wait3A_28 = arith.constant 0 : i32
    %dma_wait3A_29 = arith.constant 0 : i32
    %dma_wait3A_30 = tpu.memref_slice %arg2[%dma_wait3A_28, %dma_wait3A_29] : memref<8192x768xf32, #tpu.memory_space<hbm>> -> memref<8192x768xf32, #tpu.memory_space<hbm>>
    tpu.wait_indirect_dma semaphore(%arg13 : memref<!tpu.dma_semaphore, #tpu.memory_space<semaphore_mem>>) src(%dma_wait3A_30 : memref<8192x768xf32, #tpu.memory_space<hbm>>) dst(%arg9 : memref<32x768xf32, #tpu.memory_space<vmem>>)
    %scan3A = arith.constant 0 : i32
    %scan3A_31 = arith.constant 32 : i32
    %scan3A_32 = arith.addi %scan3A, %scan3A_31 : i32
    %scan3A_33 = arith.constant 1 : i32
    scf.for %scan3A_54 = %scan3A to %scan3A_32 step %scan3A_33  : i32 {
      %mul3A_55 = arith.constant 1 : i32
      %mul3A_56 = arith.muli %scan3A_54, %mul3A_55 : i32
      %add3A_57 = arith.constant 0 : i32
      %add3A_58 = arith.addi %add3A_57, %mul3A_56 : i32
      %scan3A_59 = arith.constant 0 : i32
      %scan3A_60 = arith.constant 48 : i32
      %scan3A_61 = arith.addi %scan3A_59, %scan3A_60 : i32
      %scan3A_62 = arith.constant 1 : i32
      scf.for %scan3A_64 = %scan3A_59 to %scan3A_61 step %scan3A_62  : i32 {
        %mul3A_65 = arith.constant 16 : i32
        %mul3A_66 = arith.muli %scan3A_64, %mul3A_65 : i32
        %add3A_67 = arith.constant 0 : i32
        %add3A_68 = arith.addi %add3A_67, %mul3A_66 : i32
        %get3A = arith.index_cast %add3A_58 : i32 to index
        %get3A_69 = arith.index_cast %add3A_68 : i32 to index
        %get3A_70 = tpu.vector_load %arg8[%get3A, %get3A_69] {strides = array<i32>} : memref<32x768xf32, #tpu.memory_space<vmem>>, vector<1x16xf32>,
        %get3A_71 = vector.shape_cast %get3A_70 : vector<1x16xf32> to vector<1x16xf32>
        %get3A_72 = arith.index_cast %add3A_58 : i32 to index
        %get3A_73 = arith.index_cast %add3A_68 : i32 to index
        %get3A_74 = tpu.vector_load %arg9[%get3A_72, %get3A_73] {strides = array<i32>} : memref<32x768xf32, #tpu.memory_space<vmem>>, vector<1x16xf32>,
        %get3A_75 = vector.shape_cast %get3A_74 : vector<1x16xf32> to vector<1x16xf32>
        %add3A_76 = arith.addf %get3A_71, %get3A_75 : vector<1x16xf32>
        %swap3A = arith.index_cast %add3A_58 : i32 to index
        %swap3A_77 = arith.index_cast %add3A_68 : i32 to index
        %swap3A_78 = tpu.vector_load %arg8[%swap3A, %swap3A_77] {strides = array<i32>} : memref<32x768xf32, #tpu.memory_space<vmem>>, vector<1x16xf32>,
        %swap3A_79 = vector.shape_cast %swap3A_78 : vector<1x16xf32> to vector<1x16xf32>
        %swap3A_80 = vector.shape_cast %add3A_76 : vector<1x16xf32> to vector<1x16xf32>
        tpu.vector_store %arg8[%swap3A, %swap3A_77], %swap3A_80 {strides = array<i32>} : memref<32x768xf32, #tpu.memory_space<vmem>>, vector<1x16xf32>,
      }
      %scan3A_63 = arith.constant 48 : i32
    }
    %scan3A_34 = arith.constant 32 : i32
    %add3A_35 = arith.constant 0 : i32
    %add3A_36 = arith.addi %mul3A_2, %add3A_35 : i32
    "tpu.region"() ({
      %run_scoped3A = tpu.sem_alloc : memref<!tpu.dma_semaphore, #tpu.memory_space<semaphore_mem>>
      %dma_start3A_54 = arith.constant 0 : i32
      %dma_start3A_55 = tpu.memref_slice %arg5[%add3A_36, %dma_start3A_54] : memref<2048x768xf32, #tpu.memory_space<hbm>> -> memref<32x768xf32, #tpu.memory_space<hbm>>
      %dma_start3A_56 = arith.constant 0 : i32
      %dma_start3A_57 = tpu.memref_slice %arg5[%add3A_36, %dma_start3A_56] : memref<2048x768xf32, #tpu.memory_space<hbm>> -> memref<32x768xf32, #tpu.memory_space<hbm>>
      tpu.enqueue_dma source(%arg8 : memref<32x768xf32, #tpu.memory_space<vmem>>) target(%dma_start3A_57 : memref<32x768xf32, #tpu.memory_space<hbm>>) target_semaphore(%run_scoped3A : memref<!tpu.dma_semaphore, #tpu.memory_space<semaphore_mem>>)
      %dma_wait3A_58 = arith.constant 0 : i32
      %dma_wait3A_59 = tpu.memref_slice %arg5[%add3A_36, %dma_wait3A_58] : memref<2048x768xf32, #tpu.memory_space<hbm>> -> memref<32x768xf32, #tpu.memory_space<hbm>>
      %dma_wait3A_60 = arith.constant 0 : i32
      %dma_wait3A_61 = tpu.memref_slice %arg5[%add3A_36, %dma_wait3A_60] : memref<2048x768xf32, #tpu.memory_space<hbm>> -> memref<32x768xf32, #tpu.memory_space<hbm>>
      tpu.wait_dma2 semaphore(%run_scoped3A : memref<!tpu.dma_semaphore, #tpu.memory_space<semaphore_mem>>) src(%arg8 : memref<32x768xf32, #tpu.memory_space<vmem>>) dst(%dma_wait3A_61 : memref<32x768xf32, #tpu.memory_space<hbm>>)
      tpu.yield
    }) : () -> ()
    %dma_wait3A_37 = arith.constant 32 : i32
    %dma_wait3A_38 = tpu.memref_slice %arg6[%dma_wait3A_37] : memref<64xi32, #tpu.memory_space<vmem>> -> memref<32xi32, #tpu.memory_space<vmem>>
    %dma_wait3A_39 = arith.constant 0 : i32
    %dma_wait3A_40 = arith.constant 0 : i32
    %dma_wait3A_41 = tpu.memref_slice %arg2[%dma_wait3A_39, %dma_wait3A_40] : memref<8192x768xf32, #tpu.memory_space<hbm>> -> memref<8192x768xf32, #tpu.memory_space<hbm>>
    tpu.wait_indirect_dma semaphore(%arg14 : memref<!tpu.dma_semaphore, #tpu.memory_space<semaphore_mem>>) src(%dma_wait3A_41 : memref<8192x768xf32, #tpu.memory_space<hbm>>) dst(%arg10 : memref<32x768xf32, #tpu.memory_space<vmem>>)
    %dma_wait3A_42 = arith.constant 32 : i32
    %dma_wait3A_43 = tpu.memref_slice %arg7[%dma_wait3A_42] : memref<64xi32, #tpu.memory_space<vmem>> -> memref<32xi32, #tpu.memory_space<vmem>>
    %dma_wait3A_44 = arith.constant 0 : i32
    %dma_wait3A_45 = arith.constant 0 : i32
    %dma_wait3A_46 = tpu.memref_slice %arg2[%dma_wait3A_44, %dma_wait3A_45] : memref<8192x768xf32, #tpu.memory_space<hbm>> -> memref<8192x768xf32, #tpu.memory_space<hbm>>
    tpu.wait_indirect_dma semaphore(%arg15 : memref<!tpu.dma_semaphore, #tpu.memory_space<semaphore_mem>>) src(%dma_wait3A_46 : memref<8192x768xf32, #tpu.memory_space<hbm>>) dst(%arg11 : memref<32x768xf32, #tpu.memory_space<vmem>>)
    %scan3A_47 = arith.constant 0 : i32
    %scan3A_48 = arith.constant 32 : i32
    %scan3A_49 = arith.addi %scan3A_47, %scan3A_48 : i32
    %scan3A_50 = arith.constant 1 : i32
    scf.for %scan3A_54 = %scan3A_47 to %scan3A_49 step %scan3A_50  : i32 {
      %mul3A_55 = arith.constant 1 : i32
      %mul3A_56 = arith.muli %scan3A_54, %mul3A_55 : i32
      %add3A_57 = arith.constant 0 : i32
      %add3A_58 = arith.addi %add3A_57, %mul3A_56 : i32
      %scan3A_59 = arith.constant 0 : i32
      %scan3A_60 = arith.constant 48 : i32
      %scan3A_61 = arith.addi %scan3A_59, %scan3A_60 : i32
      %scan3A_62 = arith.constant 1 : i32
      scf.for %scan3A_64 = %scan3A_59 to %scan3A_61 step %scan3A_62  : i32 {
        %mul3A_65 = arith.constant 16 : i32
        %mul3A_66 = arith.muli %scan3A_64, %mul3A_65 : i32
        %add3A_67 = arith.constant 0 : i32
        %add3A_68 = arith.addi %add3A_67, %mul3A_66 : i32
        %get3A = arith.index_cast %add3A_58 : i32 to index
        %get3A_69 = arith.index_cast %add3A_68 : i32 to index
        %get3A_70 = tpu.vector_load %arg10[%get3A, %get3A_69] {strides = array<i32>} : memref<32x768xf32, #tpu.memory_space<vmem>>, vector<1x16xf32>,
        %get3A_71 = vector.shape_cast %get3A_70 : vector<1x16xf32> to vector<1x16xf32>
        %get3A_72 = arith.index_cast %add3A_58 : i32 to index
        %get3A_73 = arith.index_cast %add3A_68 : i32 to index
        %get3A_74 = tpu.vector_load %arg11[%get3A_72, %get3A_73] {strides = array<i32>} : memref<32x768xf32, #tpu.memory_space<vmem>>, vector<1x16xf32>,
        %get3A_75 = vector.shape_cast %get3A_74 : vector<1x16xf32> to vector<1x16xf32>
        %add3A_76 = arith.addf %get3A_71, %get3A_75 : vector<1x16xf32>
        %swap3A = arith.index_cast %add3A_58 : i32 to index
        %swap3A_77 = arith.index_cast %add3A_68 : i32 to index
        %swap3A_78 = tpu.vector_load %arg10[%swap3A, %swap3A_77] {strides = array<i32>} : memref<32x768xf32, #tpu.memory_space<vmem>>, vector<1x16xf32>,
        %swap3A_79 = vector.shape_cast %swap3A_78 : vector<1x16xf32> to vector<1x16xf32>
        %swap3A_80 = vector.shape_cast %add3A_76 : vector<1x16xf32> to vector<1x16xf32>
        tpu.vector_store %arg10[%swap3A, %swap3A_77], %swap3A_80 {strides = array<i32>} : memref<32x768xf32, #tpu.memory_space<vmem>>, vector<1x16xf32>,
      }
      %scan3A_63 = arith.constant 48 : i32
    }
    %scan3A_51 = arith.constant 32 : i32
    %add3A_52 = arith.constant 32 : i32
    %add3A_53 = arith.addi %mul3A_2, %add3A_52 : i32
    "tpu.region"() ({
      %run_scoped3A = tpu.sem_alloc : memref<!tpu.dma_semaphore, #tpu.memory_space<semaphore_mem>>
      %dma_start3A_54 = arith.constant 0 : i32
      %dma_start3A_55 = tpu.memref_slice %arg5[%add3A_53, %dma_start3A_54] : memref<2048x768xf32, #tpu.memory_space<hbm>> -> memref<32x768xf32, #tpu.memory_space<hbm>>
      %dma_start3A_56 = arith.constant 0 : i32
      %dma_start3A_57 = tpu.memref_slice %arg5[%add3A_53, %dma_start3A_56] : memref<2048x768xf32, #tpu.memory_space<hbm>> -> memref<32x768xf32, #tpu.memory_space<hbm>>
      tpu.enqueue_dma source(%arg10 : memref<32x768xf32, #tpu.memory_space<vmem>>) target(%dma_start3A_57 : memref<32x768xf32, #tpu.memory_space<hbm>>) target_semaphore(%run_scoped3A : memref<!tpu.dma_semaphore, #tpu.memory_space<semaphore_mem>>)
      %dma_wait3A_58 = arith.constant 0 : i32
      %dma_wait3A_59 = tpu.memref_slice %arg5[%add3A_53, %dma_wait3A_58] : memref<2048x768xf32, #tpu.memory_space<hbm>> -> memref<32x768xf32, #tpu.memory_space<hbm>>
      %dma_wait3A_60 = arith.constant 0 : i32
      %dma_wait3A_61 = tpu.memref_slice %arg5[%add3A_53, %dma_wait3A_60] : memref<2048x768xf32, #tpu.memory_space<hbm>> -> memref<32x768xf32, #tpu.memory_space<hbm>>
      tpu.wait_dma2 semaphore(%run_scoped3A : memref<!tpu.dma_semaphore, #tpu.memory_space<semaphore_mem>>) src(%arg10 : memref<32x768xf32, #tpu.memory_space<vmem>>) dst(%dma_wait3A_61 : memref<32x768xf32, #tpu.memory_space<hbm>>)
      tpu.yield
    }) : () -> ()
    return
  }
}

#map = affine_map<(d0, d1) -> (0, 0)>
#map1 = affine_map<(d0, d1) -> (0)>
module attributes {stable_mosaic.version = 14 : i64} {
  func.func @k(%arg0: i32, %arg1: i32, %arg2: memref<2048x768xf32, #tpu.memory_space<hbm>>, %arg3: memref<2048x128xf32, #tpu.memory_space<hbm>>, %arg4: memref<2048x128xf32, #tpu.memory_space<hbm>>, %arg5: memref<2048xi32, #tpu.memory_space<hbm>>, %arg6: memref<2048xi32, #tpu.memory_space<hbm>>, %arg7: memref<8192x768xf32, #tpu.memory_space<hbm>>, %arg8: memref<8192x128xf32, #tpu.memory_space<hbm>>, %arg9: memref<64xi32, #tpu.memory_space<vmem>>, %arg10: memref<64x768xf32, #tpu.memory_space<vmem>>, %arg11: memref<64x128xf32, #tpu.memory_space<vmem>>, %arg12: memref<!tpu.dma_semaphore, #tpu.memory_space<semaphore_mem>>) attributes {dimension_semantics = [#tpu.dimension_semantics<core_parallel>, #tpu.dimension_semantics<subcore_parallel>], iteration_bounds = array<i64: 2, 16>, scalar_prefetch = 0 : i64, scratch_operands = 4 : i64, tpu.core_type = #tpu.core_type<sc_vector_subcore>, window_params = [{transform_indices = #map}, {transform_indices = #map}, {transform_indices = #map}, {transform_indices = #map1}, {transform_indices = #map1}, {transform_indices = #map}, {transform_indices = #map}]} {
    %mul3A = arith.constant 2 : i32
    %mul3A_0 = arith.muli %arg1, %mul3A : i32
    %add3A = arith.addi %mul3A_0, %arg0 : i32
    %mul3A_1 = arith.constant 64 : i32
    %mul3A_2 = arith.muli %add3A, %mul3A_1 : i32
    "tpu.region"() ({
      %run_scoped3A = tpu.sem_alloc : memref<!tpu.dma_semaphore, #tpu.memory_space<semaphore_mem>>
      %dma_start3A_25 = arith.constant 0 : i32
      %dma_start3A_26 = tpu.memref_slice %arg2[%mul3A_2, %dma_start3A_25] : memref<2048x768xf32, #tpu.memory_space<hbm>> -> memref<64x768xf32, #tpu.memory_space<hbm>>
      %dma_start3A_27 = arith.constant 0 : i32
      %dma_start3A_28 = tpu.memref_slice %arg2[%mul3A_2, %dma_start3A_27] : memref<2048x768xf32, #tpu.memory_space<hbm>> -> memref<64x768xf32, #tpu.memory_space<hbm>>
      tpu.enqueue_dma source(%dma_start3A_28 : memref<64x768xf32, #tpu.memory_space<hbm>>) target(%arg10 : memref<64x768xf32, #tpu.memory_space<vmem>>) target_semaphore(%run_scoped3A : memref<!tpu.dma_semaphore, #tpu.memory_space<semaphore_mem>>)
      %dma_wait3A_29 = arith.constant 0 : i32
      %dma_wait3A_30 = tpu.memref_slice %arg2[%mul3A_2, %dma_wait3A_29] : memref<2048x768xf32, #tpu.memory_space<hbm>> -> memref<64x768xf32, #tpu.memory_space<hbm>>
      %dma_wait3A_31 = arith.constant 0 : i32
      %dma_wait3A_32 = tpu.memref_slice %arg2[%mul3A_2, %dma_wait3A_31] : memref<2048x768xf32, #tpu.memory_space<hbm>> -> memref<64x768xf32, #tpu.memory_space<hbm>>
      tpu.wait_dma2 semaphore(%run_scoped3A : memref<!tpu.dma_semaphore, #tpu.memory_space<semaphore_mem>>) src(%dma_wait3A_32 : memref<64x768xf32, #tpu.memory_space<hbm>>) dst(%arg10 : memref<64x768xf32, #tpu.memory_space<vmem>>)
      tpu.yield
    }) : () -> ()
    "tpu.region"() ({
      %run_scoped3A = tpu.sem_alloc : memref<!tpu.dma_semaphore, #tpu.memory_space<semaphore_mem>>
      %dma_start3A_25 = tpu.memref_slice %arg5[%mul3A_2] : memref<2048xi32, #tpu.memory_space<hbm>> -> memref<64xi32, #tpu.memory_space<hbm>>
      %dma_start3A_26 = tpu.memref_slice %arg5[%mul3A_2] : memref<2048xi32, #tpu.memory_space<hbm>> -> memref<64xi32, #tpu.memory_space<hbm>>
      tpu.enqueue_dma source(%dma_start3A_26 : memref<64xi32, #tpu.memory_space<hbm>>) target(%arg9 : memref<64xi32, #tpu.memory_space<vmem>>) target_semaphore(%run_scoped3A : memref<!tpu.dma_semaphore, #tpu.memory_space<semaphore_mem>>)
      %dma_wait3A_27 = tpu.memref_slice %arg5[%mul3A_2] : memref<2048xi32, #tpu.memory_space<hbm>> -> memref<64xi32, #tpu.memory_space<hbm>>
      %dma_wait3A_28 = tpu.memref_slice %arg5[%mul3A_2] : memref<2048xi32, #tpu.memory_space<hbm>> -> memref<64xi32, #tpu.memory_space<hbm>>
      tpu.wait_dma2 semaphore(%run_scoped3A : memref<!tpu.dma_semaphore, #tpu.memory_space<semaphore_mem>>) src(%dma_wait3A_28 : memref<64xi32, #tpu.memory_space<hbm>>) dst(%arg9 : memref<64xi32, #tpu.memory_space<vmem>>)
      tpu.yield
    }) : () -> ()
    "tpu.region"() ({
      %run_scoped3A = tpu.sem_alloc : memref<!tpu.dma_semaphore, #tpu.memory_space<semaphore_mem>>
      %dma_start3A_25 = arith.constant 0 : i32
      %dma_start3A_26 = tpu.memref_slice %arg3[%mul3A_2, %dma_start3A_25] : memref<2048x128xf32, #tpu.memory_space<hbm>> -> memref<64x128xf32, #tpu.memory_space<hbm>>
      %dma_start3A_27 = arith.constant 0 : i32
      %dma_start3A_28 = tpu.memref_slice %arg3[%mul3A_2, %dma_start3A_27] : memref<2048x128xf32, #tpu.memory_space<hbm>> -> memref<64x128xf32, #tpu.memory_space<hbm>>
      tpu.enqueue_dma source(%dma_start3A_28 : memref<64x128xf32, #tpu.memory_space<hbm>>) target(%arg11 : memref<64x128xf32, #tpu.memory_space<vmem>>) target_semaphore(%run_scoped3A : memref<!tpu.dma_semaphore, #tpu.memory_space<semaphore_mem>>)
      %dma_wait3A_29 = arith.constant 0 : i32
      %dma_wait3A_30 = tpu.memref_slice %arg3[%mul3A_2, %dma_wait3A_29] : memref<2048x128xf32, #tpu.memory_space<hbm>> -> memref<64x128xf32, #tpu.memory_space<hbm>>
      %dma_wait3A_31 = arith.constant 0 : i32
      %dma_wait3A_32 = tpu.memref_slice %arg3[%mul3A_2, %dma_wait3A_31] : memref<2048x128xf32, #tpu.memory_space<hbm>> -> memref<64x128xf32, #tpu.memory_space<hbm>>
      tpu.wait_dma2 semaphore(%run_scoped3A : memref<!tpu.dma_semaphore, #tpu.memory_space<semaphore_mem>>) src(%dma_wait3A_32 : memref<64x128xf32, #tpu.memory_space<hbm>>) dst(%arg11 : memref<64x128xf32, #tpu.memory_space<vmem>>)
      tpu.yield
    }) : () -> ()
    %dma_start3A = arith.constant 0 : i32
    %dma_start3A_3 = arith.constant 0 : i32
    %dma_start3A_4 = tpu.memref_slice %arg7[%dma_start3A, %dma_start3A_3] : memref<8192x768xf32, #tpu.memory_space<hbm>> -> memref<8192x768xf32, #tpu.memory_space<hbm>>
    tpu.enqueue_indirect_dma source(%arg10 : memref<64x768xf32, #tpu.memory_space<vmem>>) target(%dma_start3A_4 : memref<8192x768xf32, #tpu.memory_space<hbm>>) offsets(%arg9 : memref<64xi32, #tpu.memory_space<vmem>>) semaphore(%arg12 : memref<!tpu.dma_semaphore, #tpu.memory_space<semaphore_mem>>)
    %dma_wait3A = arith.constant 0 : i32
    %dma_wait3A_5 = arith.constant 0 : i32
    %dma_wait3A_6 = tpu.memref_slice %arg7[%dma_wait3A, %dma_wait3A_5] : memref<8192x768xf32, #tpu.memory_space<hbm>> -> memref<8192x768xf32, #tpu.memory_space<hbm>>
    tpu.wait_indirect_dma semaphore(%arg12 : memref<!tpu.dma_semaphore, #tpu.memory_space<semaphore_mem>>) src(%arg10 : memref<64x768xf32, #tpu.memory_space<vmem>>) dst(%dma_wait3A_6 : memref<8192x768xf32, #tpu.memory_space<hbm>>)
    %dma_start3A_7 = arith.constant 0 : i32
    %dma_start3A_8 = arith.constant 0 : i32
    %dma_start3A_9 = tpu.memref_slice %arg8[%dma_start3A_7, %dma_start3A_8] : memref<8192x128xf32, #tpu.memory_space<hbm>> -> memref<8192x128xf32, #tpu.memory_space<hbm>>
    tpu.enqueue_indirect_dma source(%arg11 : memref<64x128xf32, #tpu.memory_space<vmem>>) target(%dma_start3A_9 : memref<8192x128xf32, #tpu.memory_space<hbm>>) offsets(%arg9 : memref<64xi32, #tpu.memory_space<vmem>>) semaphore(%arg12 : memref<!tpu.dma_semaphore, #tpu.memory_space<semaphore_mem>>)
    %dma_wait3A_10 = arith.constant 0 : i32
    %dma_wait3A_11 = arith.constant 0 : i32
    %dma_wait3A_12 = tpu.memref_slice %arg8[%dma_wait3A_10, %dma_wait3A_11] : memref<8192x128xf32, #tpu.memory_space<hbm>> -> memref<8192x128xf32, #tpu.memory_space<hbm>>
    tpu.wait_indirect_dma semaphore(%arg12 : memref<!tpu.dma_semaphore, #tpu.memory_space<semaphore_mem>>) src(%arg11 : memref<64x128xf32, #tpu.memory_space<vmem>>) dst(%dma_wait3A_12 : memref<8192x128xf32, #tpu.memory_space<hbm>>)
    "tpu.region"() ({
      %run_scoped3A = tpu.sem_alloc : memref<!tpu.dma_semaphore, #tpu.memory_space<semaphore_mem>>
      %dma_start3A_25 = tpu.memref_slice %arg6[%mul3A_2] : memref<2048xi32, #tpu.memory_space<hbm>> -> memref<64xi32, #tpu.memory_space<hbm>>
      %dma_start3A_26 = tpu.memref_slice %arg6[%mul3A_2] : memref<2048xi32, #tpu.memory_space<hbm>> -> memref<64xi32, #tpu.memory_space<hbm>>
      tpu.enqueue_dma source(%dma_start3A_26 : memref<64xi32, #tpu.memory_space<hbm>>) target(%arg9 : memref<64xi32, #tpu.memory_space<vmem>>) target_semaphore(%run_scoped3A : memref<!tpu.dma_semaphore, #tpu.memory_space<semaphore_mem>>)
      %dma_wait3A_27 = tpu.memref_slice %arg6[%mul3A_2] : memref<2048xi32, #tpu.memory_space<hbm>> -> memref<64xi32, #tpu.memory_space<hbm>>
      %dma_wait3A_28 = tpu.memref_slice %arg6[%mul3A_2] : memref<2048xi32, #tpu.memory_space<hbm>> -> memref<64xi32, #tpu.memory_space<hbm>>
      tpu.wait_dma2 semaphore(%run_scoped3A : memref<!tpu.dma_semaphore, #tpu.memory_space<semaphore_mem>>) src(%dma_wait3A_28 : memref<64xi32, #tpu.memory_space<hbm>>) dst(%arg9 : memref<64xi32, #tpu.memory_space<vmem>>)
      tpu.yield
    }) : () -> ()
    "tpu.region"() ({
      %run_scoped3A = tpu.sem_alloc : memref<!tpu.dma_semaphore, #tpu.memory_space<semaphore_mem>>
      %dma_start3A_25 = arith.constant 0 : i32
      %dma_start3A_26 = tpu.memref_slice %arg4[%mul3A_2, %dma_start3A_25] : memref<2048x128xf32, #tpu.memory_space<hbm>> -> memref<64x128xf32, #tpu.memory_space<hbm>>
      %dma_start3A_27 = arith.constant 0 : i32
      %dma_start3A_28 = tpu.memref_slice %arg4[%mul3A_2, %dma_start3A_27] : memref<2048x128xf32, #tpu.memory_space<hbm>> -> memref<64x128xf32, #tpu.memory_space<hbm>>
      tpu.enqueue_dma source(%dma_start3A_28 : memref<64x128xf32, #tpu.memory_space<hbm>>) target(%arg11 : memref<64x128xf32, #tpu.memory_space<vmem>>) target_semaphore(%run_scoped3A : memref<!tpu.dma_semaphore, #tpu.memory_space<semaphore_mem>>)
      %dma_wait3A_29 = arith.constant 0 : i32
      %dma_wait3A_30 = tpu.memref_slice %arg4[%mul3A_2, %dma_wait3A_29] : memref<2048x128xf32, #tpu.memory_space<hbm>> -> memref<64x128xf32, #tpu.memory_space<hbm>>
      %dma_wait3A_31 = arith.constant 0 : i32
      %dma_wait3A_32 = tpu.memref_slice %arg4[%mul3A_2, %dma_wait3A_31] : memref<2048x128xf32, #tpu.memory_space<hbm>> -> memref<64x128xf32, #tpu.memory_space<hbm>>
      tpu.wait_dma2 semaphore(%run_scoped3A : memref<!tpu.dma_semaphore, #tpu.memory_space<semaphore_mem>>) src(%dma_wait3A_32 : memref<64x128xf32, #tpu.memory_space<hbm>>) dst(%arg11 : memref<64x128xf32, #tpu.memory_space<vmem>>)
      tpu.yield
    }) : () -> ()
    %dma_start3A_13 = arith.constant 0 : i32
    %dma_start3A_14 = arith.constant 0 : i32
    %dma_start3A_15 = tpu.memref_slice %arg7[%dma_start3A_13, %dma_start3A_14] : memref<8192x768xf32, #tpu.memory_space<hbm>> -> memref<8192x768xf32, #tpu.memory_space<hbm>>
    tpu.enqueue_indirect_dma source(%arg10 : memref<64x768xf32, #tpu.memory_space<vmem>>) target(%dma_start3A_15 : memref<8192x768xf32, #tpu.memory_space<hbm>>) offsets(%arg9 : memref<64xi32, #tpu.memory_space<vmem>>) semaphore(%arg12 : memref<!tpu.dma_semaphore, #tpu.memory_space<semaphore_mem>>)
    %dma_wait3A_16 = arith.constant 0 : i32
    %dma_wait3A_17 = arith.constant 0 : i32
    %dma_wait3A_18 = tpu.memref_slice %arg7[%dma_wait3A_16, %dma_wait3A_17] : memref<8192x768xf32, #tpu.memory_space<hbm>> -> memref<8192x768xf32, #tpu.memory_space<hbm>>
    tpu.wait_indirect_dma semaphore(%arg12 : memref<!tpu.dma_semaphore, #tpu.memory_space<semaphore_mem>>) src(%arg10 : memref<64x768xf32, #tpu.memory_space<vmem>>) dst(%dma_wait3A_18 : memref<8192x768xf32, #tpu.memory_space<hbm>>)
    %dma_start3A_19 = arith.constant 0 : i32
    %dma_start3A_20 = arith.constant 0 : i32
    %dma_start3A_21 = tpu.memref_slice %arg8[%dma_start3A_19, %dma_start3A_20] : memref<8192x128xf32, #tpu.memory_space<hbm>> -> memref<8192x128xf32, #tpu.memory_space<hbm>>
    tpu.enqueue_indirect_dma source(%arg11 : memref<64x128xf32, #tpu.memory_space<vmem>>) target(%dma_start3A_21 : memref<8192x128xf32, #tpu.memory_space<hbm>>) offsets(%arg9 : memref<64xi32, #tpu.memory_space<vmem>>) semaphore(%arg12 : memref<!tpu.dma_semaphore, #tpu.memory_space<semaphore_mem>>)
    %dma_wait3A_22 = arith.constant 0 : i32
    %dma_wait3A_23 = arith.constant 0 : i32
    %dma_wait3A_24 = tpu.memref_slice %arg8[%dma_wait3A_22, %dma_wait3A_23] : memref<8192x128xf32, #tpu.memory_space<hbm>> -> memref<8192x128xf32, #tpu.memory_space<hbm>>
    tpu.wait_indirect_dma semaphore(%arg12 : memref<!tpu.dma_semaphore, #tpu.memory_space<semaphore_mem>>) src(%arg11 : memref<64x128xf32, #tpu.memory_space<vmem>>) dst(%dma_wait3A_24 : memref<8192x128xf32, #tpu.memory_space<hbm>>)
    return
  }
}

module attributes {stable_mosaic.version = 14 : i64} {
  func.func @_ffn_kernel(%arg0: i32, %arg1: memref<16xi32, #tpu.memory_space<smem>>, %arg2: memref<16xi32, #tpu.memory_space<smem>>, %arg3: memref<512x768xf32, #tpu.memory_space<vmem>>, %arg4: memref<512x128xf32, #tpu.memory_space<vmem>>, %arg5: memref<1x768x1536xf32, #tpu.memory_space<vmem>>, %arg6: memref<8x1536xf32, #tpu.memory_space<vmem>>, %arg7: memref<1x1536x768xf32, #tpu.memory_space<vmem>>, %arg8: memref<8x768xf32, #tpu.memory_space<vmem>>, %arg9: memref<512x768xf32, #tpu.memory_space<vmem>>, %arg10: memref<768x1536xbf16, #tpu.memory_space<vmem>>, %arg11: memref<1536x768xbf16, #tpu.memory_space<vmem>>) attributes {dimension_semantics = [#tpu.dimension_semantics<arbitrary>], iteration_bounds = array<i64: 16>, scalar_prefetch = 2 : i64, scratch_operands = 2 : i64, tpu.core_type = #tpu.core_type<tc>, window_params = [{transform_indices = @transform_0, window_bounds = array<i64: 512, 768>}, {transform_indices = @transform_1, window_bounds = array<i64: 512, 128>}, {transform_indices = @transform_2, window_bounds = array<i64: 1, 768, 1536>}, {pipeline_mode = #tpu.pipeline_mode<synchronous>, transform_indices = @transform_3, window_bounds = array<i64: 8, 1536>}, {transform_indices = @transform_4, window_bounds = array<i64: 1, 1536, 768>}, {pipeline_mode = #tpu.pipeline_mode<synchronous>, transform_indices = @transform_5, window_bounds = array<i64: 8, 768>}, {transform_indices = @transform_6, window_bounds = array<i64: 512, 768>}]} {
    %get3A = arith.index_cast %arg0 : i32 to index
    %get3A_0 = memref.load %arg2[%get3A] : memref<16xi32, #tpu.memory_space<smem>>
    %eq3A = arith.constant 1 : i32
    %eq3A_1 = arith.cmpi eq, %get3A_0, %eq3A : i32
    %convert_element_type3A = arith.extui %eq3A_1 : i1 to i32
    %cond3A = arith.constant 0 : i32
    %cond3A_2 = arith.cmpi ne, %convert_element_type3A, %cond3A : i32
    scf.if %cond3A_2 {
      %sub3A = arith.constant 1 : i32
      %sub3A_3 = arith.subi %arg0, %sub3A : i32
      %max3A = arith.constant 0 : i32
      %max3A_4 = arith.maxsi %sub3A_3, %max3A : i32
      %get3A_5 = arith.index_cast %max3A_4 : i32 to index
      %get3A_6 = memref.load %arg1[%get3A_5] : memref<16xi32, #tpu.memory_space<smem>>
      %eq3A_7 = arith.constant 0 : i32
      %eq3A_8 = arith.cmpi eq, %arg0, %eq3A_7 : i32
      %get3A_9 = arith.index_cast %arg0 : i32 to index
      %get3A_10 = memref.load %arg1[%get3A_9] : memref<16xi32, #tpu.memory_space<smem>>
      %ne3A = arith.cmpi ne, %get3A_10, %get3A_6 : i32
      %or3A = arith.ori %eq3A_8, %ne3A : i1
      %convert_element_type3A_11 = arith.extui %or3A : i1 to i32
      %cond3A_12 = arith.constant 0 : i32
      %cond3A_13 = arith.cmpi ne, %convert_element_type3A_11, %cond3A_12 : i32
      scf.if %cond3A_13 {
        %get3A_84 = arith.constant 0 : index
        %get3A_85 = arith.constant 0 : index
        %get3A_86 = arith.constant 0 : index
        %get3A_87 = vector.load %arg5[%get3A_84, %get3A_85, %get3A_86] : memref<1x768x1536xf32, #tpu.memory_space<vmem>>, vector<1x768x1536xf32>
        %get3A_88 = vector.shape_cast %get3A_87 : vector<1x768x1536xf32> to vector<768x1536xf32>
        %convert_element_type3A_89 = arith.truncf %get3A_88 : vector<768x1536xf32> to vector<768x1536xbf16>
        %swap3A_90 = arith.constant 0 : index
        %swap3A_91 = arith.constant 0 : index
        %swap3A_92 = vector.load %arg10[%swap3A_90, %swap3A_91] : memref<768x1536xbf16, #tpu.memory_space<vmem>>, vector<768x1536xbf16>
        tpu.vector_store %arg10[%swap3A_90, %swap3A_91], %convert_element_type3A_89 {strides = array<i32>} : memref<768x1536xbf16, #tpu.memory_space<vmem>>, vector<768x1536xbf16>,
        %get3A_93 = arith.constant 0 : index
        %get3A_94 = arith.constant 0 : index
        %get3A_95 = arith.constant 0 : index
        %get3A_96 = vector.load %arg7[%get3A_93, %get3A_94, %get3A_95] : memref<1x1536x768xf32, #tpu.memory_space<vmem>>, vector<1x1536x768xf32>
        %get3A_97 = vector.shape_cast %get3A_96 : vector<1x1536x768xf32> to vector<1536x768xf32>
        %convert_element_type3A_98 = arith.truncf %get3A_97 : vector<1536x768xf32> to vector<1536x768xbf16>
        %swap3A_99 = arith.constant 0 : index
        %swap3A_100 = arith.constant 0 : index
        %swap3A_101 = vector.load %arg11[%swap3A_99, %swap3A_100] : memref<1536x768xbf16, #tpu.memory_space<vmem>>, vector<1536x768xbf16>
        tpu.vector_store %arg11[%swap3A_99, %swap3A_100], %convert_element_type3A_98 {strides = array<i32>} : memref<1536x768xbf16, #tpu.memory_space<vmem>>, vector<1536x768xbf16>,
      } else {
      }
      %get3A_14 = arith.index_cast %arg0 : i32 to index
      %get3A_15 = memref.load %arg1[%get3A_14] : memref<16xi32, #tpu.memory_space<smem>>
      %get3A_16 = arith.constant 0 : index
      %get3A_17 = arith.constant 0 : index
      %get3A_18 = vector.load %arg3[%get3A_16, %get3A_17] : memref<512x768xf32, #tpu.memory_space<vmem>>, vector<512x768xf32>
      %convert_element_type3A_19 = arith.truncf %get3A_18 : vector<512x768xf32> to vector<512x768xbf16>
      %get3A_20 = arith.index_cast %get3A_15 : i32 to index
      %get3A_21 = arith.constant 0 : index
      %get3A_22 = vector.load %arg8[%get3A_20, %get3A_21] : memref<8x768xf32, #tpu.memory_space<vmem>>, vector<1x768xf32>
      %mul3A = arith.constant 1.000000e+00 : f32
      %mul3A_23 = vector.broadcast %mul3A : f32 to vector<1x768xf32>
      %mul3A_24 = arith.mulf %get3A_22, %mul3A_23 : vector<1x768xf32>
      %get3A_25 = arith.index_cast %get3A_15 : i32 to index
      %get3A_26 = arith.constant 0 : index
      %get3A_27 = vector.load %arg6[%get3A_25, %get3A_26] : memref<8x1536xf32, #tpu.memory_space<vmem>>, vector<1x1536xf32>
      %get3A_28 = arith.constant 0 : index
      %get3A_29 = arith.constant 0 : index
      %get3A_30 = vector.load %arg10[%get3A_28, %get3A_29] : memref<768x1536xbf16, #tpu.memory_space<vmem>>, vector<768x768xbf16>
      %slice3A = vector.extract_strided_slice %get3A_27 {offsets = [0, 0], sizes = [1, 768], strides = [1, 1]} : vector<1x1536xf32> to vector<1x768xf32>
      %dot_general3A = arith.constant dense<0.000000e+00> : vector<512x768xf32>
      %dot_general3A_31 = tpu.matmul %convert_element_type3A_19, %get3A_30, %dot_general3A {dimension_numbers = #tpu.dot_dimension_numbers<[1], [0], [0], [1], [0, 0, 1, 1], [], []>, transpose_lhs_hint = false} : vector<512x768xbf16>, vector<768x768xbf16>, vector<512x768xf32> -> vector<512x768xf32>
      %add3A = vector.broadcast %slice3A : vector<1x768xf32> to vector<512x768xf32>
      %add3A_32 = arith.addf %dot_general3A_31, %add3A : vector<512x768xf32>
      %mul3A_33 = arith.constant 5.000000e-01 : f32
      %mul3A_34 = vector.broadcast %mul3A_33 : f32 to vector<512x768xf32>
      %mul3A_35 = arith.mulf %mul3A_34, %add3A_32 : vector<512x768xf32>
      %mul3A_36 = arith.constant 0.707106769 : f32
      %mul3A_37 = vector.broadcast %mul3A_36 : f32 to vector<512x768xf32>
      %mul3A_38 = arith.mulf %add3A_32, %mul3A_37 : vector<512x768xf32>
      %erf3A = math.erf %mul3A_38 : vector<512x768xf32>
      %add3A_39 = arith.constant 1.000000e+00 : f32
      %add3A_40 = vector.broadcast %add3A_39 : f32 to vector<512x768xf32>
      %add3A_41 = arith.addf %add3A_40, %erf3A : vector<512x768xf32>
      %mul3A_42 = arith.mulf %mul3A_35, %add3A_41 : vector<512x768xf32>
      %convert_element_type3A_43 = arith.truncf %mul3A_42 : vector<512x768xf32> to vector<512x768xbf16>
      %get3A_44 = arith.constant 0 : index
      %get3A_45 = arith.constant 0 : index
      %get3A_46 = vector.load %arg11[%get3A_44, %get3A_45] : memref<1536x768xbf16, #tpu.memory_space<vmem>>, vector<768x768xbf16>
      %dot_general3A_47 = arith.constant dense<0.000000e+00> : vector<512x768xf32>
      %dot_general3A_48 = tpu.matmul %convert_element_type3A_43, %get3A_46, %dot_general3A_47 {dimension_numbers = #tpu.dot_dimension_numbers<[1], [0], [0], [1], [0, 0, 1, 1], [], []>, transpose_lhs_hint = false} : vector<512x768xbf16>, vector<768x768xbf16>, vector<512x768xf32> -> vector<512x768xf32>
      %add3A_49 = vector.broadcast %mul3A_24 : vector<1x768xf32> to vector<512x768xf32>
      %add3A_50 = arith.addf %add3A_49, %dot_general3A_48 : vector<512x768xf32>
      %get3A_51 = arith.constant 0 : index
      %get3A_52 = arith.constant 768 : index
      %get3A_53 = vector.load %arg10[%get3A_51, %get3A_52] : memref<768x1536xbf16, #tpu.memory_space<vmem>>, vector<768x768xbf16>
      %slice3A_54 = vector.extract_strided_slice %get3A_27 {offsets = [0, 768], sizes = [1, 768], strides = [1, 1]} : vector<1x1536xf32> to vector<1x768xf32>
      %dot_general3A_55 = arith.constant dense<0.000000e+00> : vector<512x768xf32>
      %dot_general3A_56 = tpu.matmul %convert_element_type3A_19, %get3A_53, %dot_general3A_55 {dimension_numbers = #tpu.dot_dimension_numbers<[1], [0], [0], [1], [0, 0, 1, 1], [], []>, transpose_lhs_hint = false} : vector<512x768xbf16>, vector<768x768xbf16>, vector<512x768xf32> -> vector<512x768xf32>
      %add3A_57 = vector.broadcast %slice3A_54 : vector<1x768xf32> to vector<512x768xf32>
      %add3A_58 = arith.addf %dot_general3A_56, %add3A_57 : vector<512x768xf32>
      %mul3A_59 = arith.constant 5.000000e-01 : f32
      %mul3A_60 = vector.broadcast %mul3A_59 : f32 to vector<512x768xf32>
      %mul3A_61 = arith.mulf %mul3A_60, %add3A_58 : vector<512x768xf32>
      %mul3A_62 = arith.constant 0.707106769 : f32
      %mul3A_63 = vector.broadcast %mul3A_62 : f32 to vector<512x768xf32>
      %mul3A_64 = arith.mulf %add3A_58, %mul3A_63 : vector<512x768xf32>
      %erf3A_65 = math.erf %mul3A_64 : vector<512x768xf32>
      %add3A_66 = arith.constant 1.000000e+00 : f32
      %add3A_67 = vector.broadcast %add3A_66 : f32 to vector<512x768xf32>
      %add3A_68 = arith.addf %add3A_67, %erf3A_65 : vector<512x768xf32>
      %mul3A_69 = arith.mulf %mul3A_61, %add3A_68 : vector<512x768xf32>
      %convert_element_type3A_70 = arith.truncf %mul3A_69 : vector<512x768xf32> to vector<512x768xbf16>
      %get3A_71 = arith.constant 768 : index
      %get3A_72 = arith.constant 0 : index
      %get3A_73 = vector.load %arg11[%get3A_71, %get3A_72] : memref<1536x768xbf16, #tpu.memory_space<vmem>>, vector<768x768xbf16>
      %dot_general3A_74 = arith.constant dense<0.000000e+00> : vector<512x768xf32>
      %dot_general3A_75 = tpu.matmul %convert_element_type3A_70, %get3A_73, %dot_general3A_74 {dimension_numbers = #tpu.dot_dimension_numbers<[1], [0], [0], [1], [0, 0, 1, 1], [], []>, transpose_lhs_hint = false} : vector<512x768xbf16>, vector<768x768xbf16>, vector<512x768xf32> -> vector<512x768xf32>
      %add3A_76 = arith.addf %add3A_50, %dot_general3A_75 : vector<512x768xf32>
      %get3A_77 = arith.constant 0 : index
      %get3A_78 = arith.constant 0 : index
      %get3A_79 = vector.load %arg4[%get3A_77, %get3A_78] : memref<512x128xf32, #tpu.memory_space<vmem>>, vector<512x1xf32>
      %mul3A_80 = vector.broadcast %get3A_79 : vector<512x1xf32> to vector<512x768xf32>
      %mul3A_81 = arith.mulf %add3A_76, %mul3A_80 : vector<512x768xf32>
      %swap3A = arith.constant 0 : index
      %swap3A_82 = arith.constant 0 : index
      %swap3A_83 = vector.load %arg9[%swap3A, %swap3A_82] : memref<512x768xf32, #tpu.memory_space<vmem>>, vector<512x768xf32>
      tpu.vector_store %arg9[%swap3A, %swap3A_82], %mul3A_81 {strides = array<i32>} : memref<512x768xf32, #tpu.memory_space<vmem>>, vector<512x768xf32>,
    } else {
    }
    return
  }
  func.func @transform_0(%arg0: i32, %arg1: memref<16xi32, #tpu.memory_space<smem>>, %arg2: memref<16xi32, #tpu.memory_space<smem>>) -> (i32, i32) {
    %get3A = arith.index_cast %arg0 : i32 to index
    %get3A_0 = memref.load %arg2[%get3A] : memref<16xi32, #tpu.memory_space<smem>>
    %eq3A = arith.constant 1 : i32
    %eq3A_1 = arith.cmpi eq, %get3A_0, %eq3A : i32
    %jit3A = arith.constant 0 : i32
    %select_n3A = arith.select %eq3A_1, %arg0, %jit3A : i32
    %c0_i32 = arith.constant 0 : i32
    %c0_i32_2 = arith.constant 0 : i32
    return %select_n3A, %c0_i32 : i32, i32
  }
  func.func @transform_1(%arg0: i32, %arg1: memref<16xi32, #tpu.memory_space<smem>>, %arg2: memref<16xi32, #tpu.memory_space<smem>>) -> (i32, i32) {
    %get3A = arith.index_cast %arg0 : i32 to index
    %get3A_0 = memref.load %arg2[%get3A] : memref<16xi32, #tpu.memory_space<smem>>
    %eq3A = arith.constant 1 : i32
    %eq3A_1 = arith.cmpi eq, %get3A_0, %eq3A : i32
    %jit3A = arith.constant 0 : i32
    %select_n3A = arith.select %eq3A_1, %arg0, %jit3A : i32
    %c0_i32 = arith.constant 0 : i32
    %c0_i32_2 = arith.constant 0 : i32
    return %select_n3A, %c0_i32 : i32, i32
  }
  func.func @transform_2(%arg0: i32, %arg1: memref<16xi32, #tpu.memory_space<smem>>, %arg2: memref<16xi32, #tpu.memory_space<smem>>) -> (i32, i32, i32) {
    %get3A = arith.index_cast %arg0 : i32 to index
    %get3A_0 = memref.load %arg1[%get3A] : memref<16xi32, #tpu.memory_space<smem>>
    %c0_i32 = arith.constant 0 : i32
    %c0_i32_1 = arith.constant 0 : i32
    %c0_i32_2 = arith.constant 0 : i32
    return %get3A_0, %c0_i32, %c0_i32_1 : i32, i32, i32
  }
  func.func @transform_3(%arg0: i32, %arg1: memref<16xi32, #tpu.memory_space<smem>>, %arg2: memref<16xi32, #tpu.memory_space<smem>>) -> (i32, i32) {
    %c0_i32 = arith.constant 0 : i32
    %c0_i32_0 = arith.constant 0 : i32
    %c0_i32_1 = arith.constant 0 : i32
    return %c0_i32, %c0_i32_0 : i32, i32
  }
  func.func @transform_4(%arg0: i32, %arg1: memref<16xi32, #tpu.memory_space<smem>>, %arg2: memref<16xi32, #tpu.memory_space<smem>>) -> (i32, i32, i32) {
    %get3A = arith.index_cast %arg0 : i32 to index
    %get3A_0 = memref.load %arg1[%get3A] : memref<16xi32, #tpu.memory_space<smem>>
    %c0_i32 = arith.constant 0 : i32
    %c0_i32_1 = arith.constant 0 : i32
    %c0_i32_2 = arith.constant 0 : i32
    return %get3A_0, %c0_i32, %c0_i32_1 : i32, i32, i32
  }
  func.func @transform_5(%arg0: i32, %arg1: memref<16xi32, #tpu.memory_space<smem>>, %arg2: memref<16xi32, #tpu.memory_space<smem>>) -> (i32, i32) {
    %c0_i32 = arith.constant 0 : i32
    %c0_i32_0 = arith.constant 0 : i32
    %c0_i32_1 = arith.constant 0 : i32
    return %c0_i32, %c0_i32_0 : i32, i32
  }
  func.func @transform_6(%arg0: i32, %arg1: memref<16xi32, #tpu.memory_space<smem>>, %arg2: memref<16xi32, #tpu.memory_space<smem>>) -> (i32, i32) {
    %c0_i32 = arith.constant 0 : i32
    %c0_i32_0 = arith.constant 0 : i32
    return %arg0, %c0_i32 : i32, i32
  }
}

module attributes {stable_mosaic.version = 14 : i64} {
  func.func @_route_kernel(%arg0: memref<2048x768xf32, #tpu.memory_space<vmem>>, %arg1: memref<768xf32, #tpu.memory_space<vmem>>, %arg2: memref<768xf32, #tpu.memory_space<vmem>>, %arg3: memref<768x8xf32, #tpu.memory_space<vmem>>, %arg4: memref<8xf32, #tpu.memory_space<vmem>>, %arg5: memref<2048x768xf32, #tpu.memory_space<vmem>>, %arg6: memref<2048xi32, #tpu.memory_space<vmem>>, %arg7: memref<2048xi32, #tpu.memory_space<vmem>>, %arg8: memref<2048x128xf32, #tpu.memory_space<vmem>>, %arg9: memref<2048x128xf32, #tpu.memory_space<vmem>>, %arg10: memref<16xi32, #tpu.memory_space<vmem>>, %arg11: memref<16xi32, #tpu.memory_space<vmem>>, %arg12: memref<2048x8xf32, #tpu.memory_space<vmem>>) attributes {dimension_semantics = [], scalar_prefetch = 0 : i64, scratch_operands = 1 : i64, tpu.core_type = #tpu.core_type<tc>} {
    %get3A = arith.constant 0 : index
    %get3A_0 = arith.constant 0 : index
    %get3A_1 = vector.load %arg0[%get3A, %get3A_0] : memref<2048x768xf32, #tpu.memory_space<vmem>>, vector<2048x768xf32>
    %reduce_sum3A = arith.constant dense<0.000000e+00> : vector<2048xf32>
    %reduce_sum3A_2 = vector.multi_reduction <add>, %get3A_1, %reduce_sum3A [1] : vector<2048x768xf32> to vector<2048xf32>
    %broadcast_in_dim3A = vector.shape_cast %reduce_sum3A_2 : vector<2048xf32> to vector<2048x1xf32>
    %div3A = arith.constant 7.680000e+02 : f32
    %div3A_3 = vector.broadcast %div3A : f32 to vector<2048x1xf32>
    %div3A_4 = arith.divf %broadcast_in_dim3A, %div3A_3 : vector<2048x1xf32>
    %sub3A = vector.broadcast %div3A_4 : vector<2048x1xf32> to vector<2048x768xf32>
    %sub3A_5 = arith.subf %get3A_1, %sub3A : vector<2048x768xf32>
    %mul3A = arith.mulf %sub3A_5, %sub3A_5 : vector<2048x768xf32>
    %reduce_sum3A_6 = arith.constant dense<0.000000e+00> : vector<2048xf32>
    %reduce_sum3A_7 = vector.multi_reduction <add>, %mul3A, %reduce_sum3A_6 [1] : vector<2048x768xf32> to vector<2048xf32>
    %broadcast_in_dim3A_8 = vector.shape_cast %reduce_sum3A_7 : vector<2048xf32> to vector<2048x1xf32>
    %div3A_9 = arith.constant 7.680000e+02 : f32
    %div3A_10 = vector.broadcast %div3A_9 : f32 to vector<2048x1xf32>
    %div3A_11 = arith.divf %broadcast_in_dim3A_8, %div3A_10 : vector<2048x1xf32>
    %add3A = arith.constant 9.99999974E-6 : f32
    %add3A_12 = vector.broadcast %add3A : f32 to vector<2048x1xf32>
    %add3A_13 = arith.addf %div3A_11, %add3A_12 : vector<2048x1xf32>
    %rsqrt3A = math.rsqrt %add3A_13 : vector<2048x1xf32>
    %mul3A_14 = vector.broadcast %rsqrt3A : vector<2048x1xf32> to vector<2048x768xf32>
    %mul3A_15 = arith.mulf %sub3A_5, %mul3A_14 : vector<2048x768xf32>
    %get3A_16 = arith.constant 0 : index
    %get3A_17 = vector.load %arg1[%get3A_16] : memref<768xf32, #tpu.memory_space<vmem>>, vector<768xf32>
    %broadcast_in_dim3A_18 = vector.shape_cast %get3A_17 : vector<768xf32> to vector<1x768xf32>
    %mul3A_19 = vector.broadcast %broadcast_in_dim3A_18 : vector<1x768xf32> to vector<2048x768xf32>
    %mul3A_20 = arith.mulf %mul3A_15, %mul3A_19 : vector<2048x768xf32>
    %get3A_21 = arith.constant 0 : index
    %get3A_22 = vector.load %arg2[%get3A_21] : memref<768xf32, #tpu.memory_space<vmem>>, vector<768xf32>
    %broadcast_in_dim3A_23 = vector.shape_cast %get3A_22 : vector<768xf32> to vector<1x768xf32>
    %add3A_24 = vector.broadcast %broadcast_in_dim3A_23 : vector<1x768xf32> to vector<2048x768xf32>
    %add3A_25 = arith.addf %mul3A_20, %add3A_24 : vector<2048x768xf32>
    %swap3A = arith.constant 0 : index
    %swap3A_26 = arith.constant 0 : index
    %swap3A_27 = vector.load %arg5[%swap3A, %swap3A_26] : memref<2048x768xf32, #tpu.memory_space<vmem>>, vector<2048x768xf32>
    tpu.vector_store %arg5[%swap3A, %swap3A_26], %add3A_25 {strides = array<i32>} : memref<2048x768xf32, #tpu.memory_space<vmem>>, vector<2048x768xf32>,
    %get3A_28 = arith.constant 0 : index
    %get3A_29 = arith.constant 0 : index
    %get3A_30 = vector.load %arg3[%get3A_28, %get3A_29] : memref<768x8xf32, #tpu.memory_space<vmem>>, vector<768x8xf32>
    %dot_general3A = arith.constant dense<0.000000e+00> : vector<2048x8xf32>
    %dot_general3A_31 = tpu.matmul %add3A_25, %get3A_30, %dot_general3A {dimension_numbers = #tpu.dot_dimension_numbers<[1], [0], [0], [1], [0, 0, 1, 1], [], []>, transpose_lhs_hint = false} : vector<2048x768xf32>, vector<768x8xf32>, vector<2048x8xf32> -> vector<2048x8xf32>
    %get3A_32 = arith.constant 0 : index
    %get3A_33 = vector.load %arg4[%get3A_32] : memref<8xf32, #tpu.memory_space<vmem>>, vector<8xf32>
    %broadcast_in_dim3A_34 = vector.shape_cast %get3A_33 : vector<8xf32> to vector<1x8xf32>
    %add3A_35 = vector.broadcast %broadcast_in_dim3A_34 : vector<1x8xf32> to vector<2048x8xf32>
    %add3A_36 = arith.addf %dot_general3A_31, %add3A_35 : vector<2048x8xf32>
    %iota3A = tpu.iota {dimensions = array<i32: 1>} : vector<2048x8xi32>
    %reduce_max3A = arith.constant dense<0xFF800000> : vector<2048xf32>
    %reduce_max3A_37 = vector.multi_reduction <maximumf>, %add3A_36, %reduce_max3A [1] : vector<2048x8xf32> to vector<2048xf32>
    %broadcast_in_dim3A_38 = vector.shape_cast %reduce_max3A_37 : vector<2048xf32> to vector<2048x1xf32>
    %eq3A = vector.broadcast %broadcast_in_dim3A_38 : vector<2048x1xf32> to vector<2048x8xf32>
    %eq3A_39 = arith.cmpf oeq, %add3A_36, %eq3A : vector<2048x8xf32>
    %jit3A = arith.constant 8 : i32
    %broadcast_in_dim3A_40 = vector.broadcast %jit3A : i32 to vector<2048x8xi32>
    %select_n3A = arith.select %eq3A_39, %iota3A, %broadcast_in_dim3A_40 : vector<2048x8xi1>, vector<2048x8xi32>
    %reduce_min3A = arith.constant dense<2147483647> : vector<2048xi32>
    %reduce_min3A_41 = vector.multi_reduction <minsi>, %select_n3A, %reduce_min3A [1] : vector<2048x8xi32> to vector<2048xi32>
    %broadcast_in_dim3A_42 = vector.shape_cast %reduce_min3A_41 : vector<2048xi32> to vector<2048x1xi32>
    %eq3A_43 = vector.broadcast %broadcast_in_dim3A_42 : vector<2048x1xi32> to vector<2048x8xi32>
    %eq3A_44 = arith.cmpi eq, %iota3A, %eq3A_43 : vector<2048x8xi32>
    %jit3A_45 = arith.constant 0xFF800000 : f32
    %broadcast_in_dim3A_46 = vector.broadcast %jit3A_45 : f32 to vector<2048x8xf32>
    %select_n3A_47 = arith.select %eq3A_44, %broadcast_in_dim3A_46, %add3A_36 : vector<2048x8xi1>, vector<2048x8xf32>
    %reduce_max3A_48 = arith.constant dense<0xFF800000> : vector<2048xf32>
    %reduce_max3A_49 = vector.multi_reduction <maximumf>, %select_n3A_47, %reduce_max3A_48 [1] : vector<2048x8xf32> to vector<2048xf32>
    %broadcast_in_dim3A_50 = vector.shape_cast %reduce_max3A_49 : vector<2048xf32> to vector<2048x1xf32>
    %eq3A_51 = vector.broadcast %broadcast_in_dim3A_50 : vector<2048x1xf32> to vector<2048x8xf32>
    %eq3A_52 = arith.cmpf oeq, %select_n3A_47, %eq3A_51 : vector<2048x8xf32>
    %jit3A_53 = arith.constant 8 : i32
    %broadcast_in_dim3A_54 = vector.broadcast %jit3A_53 : i32 to vector<2048x8xi32>
    %select_n3A_55 = arith.select %eq3A_52, %iota3A, %broadcast_in_dim3A_54 : vector<2048x8xi1>, vector<2048x8xi32>
    %reduce_min3A_56 = arith.constant dense<2147483647> : vector<2048xi32>
    %reduce_min3A_57 = vector.multi_reduction <minsi>, %select_n3A_55, %reduce_min3A_56 [1] : vector<2048x8xi32> to vector<2048xi32>
    %broadcast_in_dim3A_58 = vector.shape_cast %reduce_min3A_57 : vector<2048xi32> to vector<2048x1xi32>
    %sub3A_59 = arith.subf %broadcast_in_dim3A_50, %broadcast_in_dim3A_38 : vector<2048x1xf32>
    %exp3A = math.exp %sub3A_59 : vector<2048x1xf32>
    %add3A_60 = arith.constant 1.000000e+00 : f32
    %add3A_61 = vector.broadcast %add3A_60 : f32 to vector<2048x1xf32>
    %add3A_62 = arith.addf %add3A_61, %exp3A : vector<2048x1xf32>
    %div3A_63 = arith.constant 1.000000e+00 : f32
    %div3A_64 = vector.broadcast %div3A_63 : f32 to vector<2048x1xf32>
    %div3A_65 = arith.divf %div3A_64, %add3A_62 : vector<2048x1xf32>
    %div3A_66 = arith.divf %exp3A, %add3A_62 : vector<2048x1xf32>
    %iota3A_67 = tpu.iota {dimensions = array<i32: 1>} : vector<1x128xi32>
    %eq3A_68 = arith.constant 0 : i32
    %eq3A_69 = vector.broadcast %eq3A_68 : i32 to vector<1x128xi32>
    %eq3A_70 = arith.cmpi eq, %iota3A_67, %eq3A_69 : vector<1x128xi32>
    %jit3A_71 = arith.constant 0.000000e+00 : f32
    %broadcast_in_dim3A_72 = vector.shape_cast %eq3A_70 : vector<1x128xi1> to vector<1x128xi1>
    %broadcast_in_dim3A_73 = vector.broadcast %broadcast_in_dim3A_72 : vector<1x128xi1> to vector<2048x128xi1>
    %broadcast_in_dim3A_74 = vector.shape_cast %div3A_65 : vector<2048x1xf32> to vector<2048x1xf32>
    %broadcast_in_dim3A_75 = vector.broadcast %broadcast_in_dim3A_74 : vector<2048x1xf32> to vector<2048x128xf32>
    %broadcast_in_dim3A_76 = vector.broadcast %jit3A_71 : f32 to vector<2048x128xf32>
    %select_n3A_77 = arith.select %broadcast_in_dim3A_73, %broadcast_in_dim3A_75, %broadcast_in_dim3A_76 : vector<2048x128xi1>, vector<2048x128xf32>
    %swap3A_78 = arith.constant 0 : index
    %swap3A_79 = arith.constant 0 : index
    %swap3A_80 = vector.load %arg8[%swap3A_78, %swap3A_79] : memref<2048x128xf32, #tpu.memory_space<vmem>>, vector<2048x128xf32>
    tpu.vector_store %arg8[%swap3A_78, %swap3A_79], %select_n3A_77 {strides = array<i32>} : memref<2048x128xf32, #tpu.memory_space<vmem>>, vector<2048x128xf32>,
    %jit3A_81 = arith.constant 0.000000e+00 : f32
    %broadcast_in_dim3A_82 = vector.shape_cast %eq3A_70 : vector<1x128xi1> to vector<1x128xi1>
    %broadcast_in_dim3A_83 = vector.broadcast %broadcast_in_dim3A_82 : vector<1x128xi1> to vector<2048x128xi1>
    %broadcast_in_dim3A_84 = vector.shape_cast %div3A_66 : vector<2048x1xf32> to vector<2048x1xf32>
    %broadcast_in_dim3A_85 = vector.broadcast %broadcast_in_dim3A_84 : vector<2048x1xf32> to vector<2048x128xf32>
    %broadcast_in_dim3A_86 = vector.broadcast %jit3A_81 : f32 to vector<2048x128xf32>
    %select_n3A_87 = arith.select %broadcast_in_dim3A_83, %broadcast_in_dim3A_85, %broadcast_in_dim3A_86 : vector<2048x128xi1>, vector<2048x128xf32>
    %swap3A_88 = arith.constant 0 : index
    %swap3A_89 = arith.constant 0 : index
    %swap3A_90 = vector.load %arg9[%swap3A_88, %swap3A_89] : memref<2048x128xf32, #tpu.memory_space<vmem>>, vector<2048x128xf32>
    tpu.vector_store %arg9[%swap3A_88, %swap3A_89], %select_n3A_87 {strides = array<i32>} : memref<2048x128xf32, #tpu.memory_space<vmem>>, vector<2048x128xf32>,
    %eq3A_91 = vector.broadcast %broadcast_in_dim3A_42 : vector<2048x1xi32> to vector<2048x8xi32>
    %eq3A_92 = arith.cmpi eq, %iota3A, %eq3A_91 : vector<2048x8xi32>
    %eq3A_93 = vector.broadcast %broadcast_in_dim3A_58 : vector<2048x1xi32> to vector<2048x8xi32>
    %eq3A_94 = arith.cmpi eq, %iota3A, %eq3A_93 : vector<2048x8xi32>
    %jit3A_95 = arith.constant 1.000000e+00 : f32
    %jit3A_96 = arith.constant 0.000000e+00 : f32
    %broadcast_in_dim3A_97 = vector.broadcast %jit3A_95 : f32 to vector<2048x8xf32>
    %broadcast_in_dim3A_98 = vector.broadcast %jit3A_96 : f32 to vector<2048x8xf32>
    %select_n3A_99 = arith.select %eq3A_92, %broadcast_in_dim3A_97, %broadcast_in_dim3A_98 : vector<2048x8xi1>, vector<2048x8xf32>
    %jit3A_100 = arith.constant 1.000000e+00 : f32
    %jit3A_101 = arith.constant 0.000000e+00 : f32
    %broadcast_in_dim3A_102 = vector.broadcast %jit3A_100 : f32 to vector<2048x8xf32>
    %broadcast_in_dim3A_103 = vector.broadcast %jit3A_101 : f32 to vector<2048x8xf32>
    %select_n3A_104 = arith.select %eq3A_94, %broadcast_in_dim3A_102, %broadcast_in_dim3A_103 : vector<2048x8xi1>, vector<2048x8xf32>
    %add3A_105 = arith.addf %select_n3A_99, %select_n3A_104 : vector<2048x8xf32>
    %convert_element_type3A = arith.truncf %add3A_105 : vector<2048x8xf32> to vector<2048x8xbf16>
    %iota3A_106 = tpu.iota {dimensions = array<i32: 0>} : vector<256x256xi32>
    %iota3A_107 = tpu.iota {dimensions = array<i32: 1>} : vector<256x256xi32>
    %lt3A = arith.cmpi slt, %iota3A_107, %iota3A_106 : vector<256x256xi32>
    %jit3A_108 = arith.constant 1.000000e+00 : f32
    %jit3A_109 = arith.constant 0.000000e+00 : f32
    %broadcast_in_dim3A_110 = vector.broadcast %jit3A_108 : f32 to vector<256x256xf32>
    %broadcast_in_dim3A_111 = vector.broadcast %jit3A_109 : f32 to vector<256x256xf32>
    %select_n3A_112 = arith.select %lt3A, %broadcast_in_dim3A_110, %broadcast_in_dim3A_111 : vector<256x256xi1>, vector<256x256xf32>
    %convert_element_type3A_113 = arith.truncf %select_n3A_112 : vector<256x256xf32> to vector<256x256xbf16>
    %broadcast_in_dim3A_114 = arith.constant 0.000000e+00 : f32
    %broadcast_in_dim3A_115 = vector.broadcast %broadcast_in_dim3A_114 : f32 to vector<1x8xf32>
    %slice3A = vector.extract_strided_slice %convert_element_type3A {offsets = [0, 0], sizes = [256, 8], strides = [1, 1]} : vector<2048x8xbf16> to vector<256x8xbf16>
    %dot_general3A_116 = arith.constant dense<0.000000e+00> : vector<256x8xf32>
    %dot_general3A_117 = tpu.matmul %convert_element_type3A_113, %slice3A, %dot_general3A_116 {dimension_numbers = #tpu.dot_dimension_numbers<[1], [0], [0], [1], [0, 0, 1, 1], [], []>, transpose_lhs_hint = false} : vector<256x256xbf16>, vector<256x8xbf16>, vector<256x8xf32> -> vector<256x8xf32>
    %add3A_118 = vector.broadcast %broadcast_in_dim3A_115 : vector<1x8xf32> to vector<256x8xf32>
    %add3A_119 = arith.addf %dot_general3A_117, %add3A_118 : vector<256x8xf32>
    %swap3A_120 = arith.constant 0 : index
    %swap3A_121 = arith.constant 0 : index
    %swap3A_122 = vector.load %arg12[%swap3A_120, %swap3A_121] : memref<2048x8xf32, #tpu.memory_space<vmem>>, vector<256x8xf32>
    tpu.vector_store %arg12[%swap3A_120, %swap3A_121], %add3A_119 {strides = array<i32>} : memref<2048x8xf32, #tpu.memory_space<vmem>>, vector<256x8xf32>,
    %convert_element_type3A_123 = arith.extf %slice3A : vector<256x8xbf16> to vector<256x8xf32>
    %reduce_sum3A_124 = arith.constant dense<0.000000e+00> : vector<8xf32>
    %reduce_sum3A_125 = vector.multi_reduction <add>, %convert_element_type3A_123, %reduce_sum3A_124 [0] : vector<256x8xf32> to vector<8xf32>
    %broadcast_in_dim3A_126 = vector.shape_cast %reduce_sum3A_125 : vector<8xf32> to vector<1x8xf32>
    %add3A_127 = arith.addf %broadcast_in_dim3A_115, %broadcast_in_dim3A_126 : vector<1x8xf32>
    %slice3A_128 = vector.extract_strided_slice %convert_element_type3A {offsets = [256, 0], sizes = [256, 8], strides = [1, 1]} : vector<2048x8xbf16> to vector<256x8xbf16>
    %dot_general3A_129 = arith.constant dense<0.000000e+00> : vector<256x8xf32>
    %dot_general3A_130 = tpu.matmul %convert_element_type3A_113, %slice3A_128, %dot_general3A_129 {dimension_numbers = #tpu.dot_dimension_numbers<[1], [0], [0], [1], [0, 0, 1, 1], [], []>, transpose_lhs_hint = false} : vector<256x256xbf16>, vector<256x8xbf16>, vector<256x8xf32> -> vector<256x8xf32>
    %add3A_131 = vector.broadcast %add3A_127 : vector<1x8xf32> to vector<256x8xf32>
    %add3A_132 = arith.addf %dot_general3A_130, %add3A_131 : vector<256x8xf32>
    %swap3A_133 = arith.constant 256 : index
    %swap3A_134 = arith.constant 0 : index
    %swap3A_135 = vector.load %arg12[%swap3A_133, %swap3A_134] : memref<2048x8xf32, #tpu.memory_space<vmem>>, vector<256x8xf32>
    tpu.vector_store %arg12[%swap3A_133, %swap3A_134], %add3A_132 {strides = array<i32>} : memref<2048x8xf32, #tpu.memory_space<vmem>>, vector<256x8xf32>,
    %convert_element_type3A_136 = arith.extf %slice3A_128 : vector<256x8xbf16> to vector<256x8xf32>
    %reduce_sum3A_137 = arith.constant dense<0.000000e+00> : vector<8xf32>
    %reduce_sum3A_138 = vector.multi_reduction <add>, %convert_element_type3A_136, %reduce_sum3A_137 [0] : vector<256x8xf32> to vector<8xf32>
    %broadcast_in_dim3A_139 = vector.shape_cast %reduce_sum3A_138 : vector<8xf32> to vector<1x8xf32>
    %add3A_140 = arith.addf %add3A_127, %broadcast_in_dim3A_139 : vector<1x8xf32>
    %slice3A_141 = vector.extract_strided_slice %convert_element_type3A {offsets = [512, 0], sizes = [256, 8], strides = [1, 1]} : vector<2048x8xbf16> to vector<256x8xbf16>
    %dot_general3A_142 = arith.constant dense<0.000000e+00> : vector<256x8xf32>
    %dot_general3A_143 = tpu.matmul %convert_element_type3A_113, %slice3A_141, %dot_general3A_142 {dimension_numbers = #tpu.dot_dimension_numbers<[1], [0], [0], [1], [0, 0, 1, 1], [], []>, transpose_lhs_hint = false} : vector<256x256xbf16>, vector<256x8xbf16>, vector<256x8xf32> -> vector<256x8xf32>
    %add3A_144 = vector.broadcast %add3A_140 : vector<1x8xf32> to vector<256x8xf32>
    %add3A_145 = arith.addf %dot_general3A_143, %add3A_144 : vector<256x8xf32>
    %swap3A_146 = arith.constant 512 : index
    %swap3A_147 = arith.constant 0 : index
    %swap3A_148 = vector.load %arg12[%swap3A_146, %swap3A_147] : memref<2048x8xf32, #tpu.memory_space<vmem>>, vector<256x8xf32>
    tpu.vector_store %arg12[%swap3A_146, %swap3A_147], %add3A_145 {strides = array<i32>} : memref<2048x8xf32, #tpu.memory_space<vmem>>, vector<256x8xf32>,
    %convert_element_type3A_149 = arith.extf %slice3A_141 : vector<256x8xbf16> to vector<256x8xf32>
    %reduce_sum3A_150 = arith.constant dense<0.000000e+00> : vector<8xf32>
    %reduce_sum3A_151 = vector.multi_reduction <add>, %convert_element_type3A_149, %reduce_sum3A_150 [0] : vector<256x8xf32> to vector<8xf32>
    %broadcast_in_dim3A_152 = vector.shape_cast %reduce_sum3A_151 : vector<8xf32> to vector<1x8xf32>
    %add3A_153 = arith.addf %add3A_140, %broadcast_in_dim3A_152 : vector<1x8xf32>
    %slice3A_154 = vector.extract_strided_slice %convert_element_type3A {offsets = [768, 0], sizes = [256, 8], strides = [1, 1]} : vector<2048x8xbf16> to vector<256x8xbf16>
    %dot_general3A_155 = arith.constant dense<0.000000e+00> : vector<256x8xf32>
    %dot_general3A_156 = tpu.matmul %convert_element_type3A_113, %slice3A_154, %dot_general3A_155 {dimension_numbers = #tpu.dot_dimension_numbers<[1], [0], [0], [1], [0, 0, 1, 1], [], []>, transpose_lhs_hint = false} : vector<256x256xbf16>, vector<256x8xbf16>, vector<256x8xf32> -> vector<256x8xf32>
    %add3A_157 = vector.broadcast %add3A_153 : vector<1x8xf32> to vector<256x8xf32>
    %add3A_158 = arith.addf %dot_general3A_156, %add3A_157 : vector<256x8xf32>
    %swap3A_159 = arith.constant 768 : index
    %swap3A_160 = arith.constant 0 : index
    %swap3A_161 = vector.load %arg12[%swap3A_159, %swap3A_160] : memref<2048x8xf32, #tpu.memory_space<vmem>>, vector<256x8xf32>
    tpu.vector_store %arg12[%swap3A_159, %swap3A_160], %add3A_158 {strides = array<i32>} : memref<2048x8xf32, #tpu.memory_space<vmem>>, vector<256x8xf32>,
    %convert_element_type3A_162 = arith.extf %slice3A_154 : vector<256x8xbf16> to vector<256x8xf32>
    %reduce_sum3A_163 = arith.constant dense<0.000000e+00> : vector<8xf32>
    %reduce_sum3A_164 = vector.multi_reduction <add>, %convert_element_type3A_162, %reduce_sum3A_163 [0] : vector<256x8xf32> to vector<8xf32>
    %broadcast_in_dim3A_165 = vector.shape_cast %reduce_sum3A_164 : vector<8xf32> to vector<1x8xf32>
    %add3A_166 = arith.addf %add3A_153, %broadcast_in_dim3A_165 : vector<1x8xf32>
    %slice3A_167 = vector.extract_strided_slice %convert_element_type3A {offsets = [1024, 0], sizes = [256, 8], strides = [1, 1]} : vector<2048x8xbf16> to vector<256x8xbf16>
    %dot_general3A_168 = arith.constant dense<0.000000e+00> : vector<256x8xf32>
    %dot_general3A_169 = tpu.matmul %convert_element_type3A_113, %slice3A_167, %dot_general3A_168 {dimension_numbers = #tpu.dot_dimension_numbers<[1], [0], [0], [1], [0, 0, 1, 1], [], []>, transpose_lhs_hint = false} : vector<256x256xbf16>, vector<256x8xbf16>, vector<256x8xf32> -> vector<256x8xf32>
    %add3A_170 = vector.broadcast %add3A_166 : vector<1x8xf32> to vector<256x8xf32>
    %add3A_171 = arith.addf %dot_general3A_169, %add3A_170 : vector<256x8xf32>
    %swap3A_172 = arith.constant 1024 : index
    %swap3A_173 = arith.constant 0 : index
    %swap3A_174 = vector.load %arg12[%swap3A_172, %swap3A_173] : memref<2048x8xf32, #tpu.memory_space<vmem>>, vector<256x8xf32>
    tpu.vector_store %arg12[%swap3A_172, %swap3A_173], %add3A_171 {strides = array<i32>} : memref<2048x8xf32, #tpu.memory_space<vmem>>, vector<256x8xf32>,
    %convert_element_type3A_175 = arith.extf %slice3A_167 : vector<256x8xbf16> to vector<256x8xf32>
    %reduce_sum3A_176 = arith.constant dense<0.000000e+00> : vector<8xf32>
    %reduce_sum3A_177 = vector.multi_reduction <add>, %convert_element_type3A_175, %reduce_sum3A_176 [0] : vector<256x8xf32> to vector<8xf32>
    %broadcast_in_dim3A_178 = vector.shape_cast %reduce_sum3A_177 : vector<8xf32> to vector<1x8xf32>
    %add3A_179 = arith.addf %add3A_166, %broadcast_in_dim3A_178 : vector<1x8xf32>
    %slice3A_180 = vector.extract_strided_slice %convert_element_type3A {offsets = [1280, 0], sizes = [256, 8], strides = [1, 1]} : vector<2048x8xbf16> to vector<256x8xbf16>
    %dot_general3A_181 = arith.constant dense<0.000000e+00> : vector<256x8xf32>
    %dot_general3A_182 = tpu.matmul %convert_element_type3A_113, %slice3A_180, %dot_general3A_181 {dimension_numbers = #tpu.dot_dimension_numbers<[1], [0], [0], [1], [0, 0, 1, 1], [], []>, transpose_lhs_hint = false} : vector<256x256xbf16>, vector<256x8xbf16>, vector<256x8xf32> -> vector<256x8xf32>
    %add3A_183 = vector.broadcast %add3A_179 : vector<1x8xf32> to vector<256x8xf32>
    %add3A_184 = arith.addf %dot_general3A_182, %add3A_183 : vector<256x8xf32>
    %swap3A_185 = arith.constant 1280 : index
    %swap3A_186 = arith.constant 0 : index
    %swap3A_187 = vector.load %arg12[%swap3A_185, %swap3A_186] : memref<2048x8xf32, #tpu.memory_space<vmem>>, vector<256x8xf32>
    tpu.vector_store %arg12[%swap3A_185, %swap3A_186], %add3A_184 {strides = array<i32>} : memref<2048x8xf32, #tpu.memory_space<vmem>>, vector<256x8xf32>,
    %convert_element_type3A_188 = arith.extf %slice3A_180 : vector<256x8xbf16> to vector<256x8xf32>
    %reduce_sum3A_189 = arith.constant dense<0.000000e+00> : vector<8xf32>
    %reduce_sum3A_190 = vector.multi_reduction <add>, %convert_element_type3A_188, %reduce_sum3A_189 [0] : vector<256x8xf32> to vector<8xf32>
    %broadcast_in_dim3A_191 = vector.shape_cast %reduce_sum3A_190 : vector<8xf32> to vector<1x8xf32>
    %add3A_192 = arith.addf %add3A_179, %broadcast_in_dim3A_191 : vector<1x8xf32>
    %slice3A_193 = vector.extract_strided_slice %convert_element_type3A {offsets = [1536, 0], sizes = [256, 8], strides = [1, 1]} : vector<2048x8xbf16> to vector<256x8xbf16>
    %dot_general3A_194 = arith.constant dense<0.000000e+00> : vector<256x8xf32>
    %dot_general3A_195 = tpu.matmul %convert_element_type3A_113, %slice3A_193, %dot_general3A_194 {dimension_numbers = #tpu.dot_dimension_numbers<[1], [0], [0], [1], [0, 0, 1, 1], [], []>, transpose_lhs_hint = false} : vector<256x256xbf16>, vector<256x8xbf16>, vector<256x8xf32> -> vector<256x8xf32>
    %add3A_196 = vector.broadcast %add3A_192 : vector<1x8xf32> to vector<256x8xf32>
    %add3A_197 = arith.addf %dot_general3A_195, %add3A_196 : vector<256x8xf32>
    %swap3A_198 = arith.constant 1536 : index
    %swap3A_199 = arith.constant 0 : index
    %swap3A_200 = vector.load %arg12[%swap3A_198, %swap3A_199] : memref<2048x8xf32, #tpu.memory_space<vmem>>, vector<256x8xf32>
    tpu.vector_store %arg12[%swap3A_198, %swap3A_199], %add3A_197 {strides = array<i32>} : memref<2048x8xf32, #tpu.memory_space<vmem>>, vector<256x8xf32>,
    %convert_element_type3A_201 = arith.extf %slice3A_193 : vector<256x8xbf16> to vector<256x8xf32>
    %reduce_sum3A_202 = arith.constant dense<0.000000e+00> : vector<8xf32>
    %reduce_sum3A_203 = vector.multi_reduction <add>, %convert_element_type3A_201, %reduce_sum3A_202 [0] : vector<256x8xf32> to vector<8xf32>
    %broadcast_in_dim3A_204 = vector.shape_cast %reduce_sum3A_203 : vector<8xf32> to vector<1x8xf32>
    %add3A_205 = arith.addf %add3A_192, %broadcast_in_dim3A_204 : vector<1x8xf32>
    %slice3A_206 = vector.extract_strided_slice %convert_element_type3A {offsets = [1792, 0], sizes = [256, 8], strides = [1, 1]} : vector<2048x8xbf16> to vector<256x8xbf16>
    %dot_general3A_207 = arith.constant dense<0.000000e+00> : vector<256x8xf32>
    %dot_general3A_208 = tpu.matmul %convert_element_type3A_113, %slice3A_206, %dot_general3A_207 {dimension_numbers = #tpu.dot_dimension_numbers<[1], [0], [0], [1], [0, 0, 1, 1], [], []>, transpose_lhs_hint = false} : vector<256x256xbf16>, vector<256x8xbf16>, vector<256x8xf32> -> vector<256x8xf32>
    %add3A_209 = vector.broadcast %add3A_205 : vector<1x8xf32> to vector<256x8xf32>
    %add3A_210 = arith.addf %dot_general3A_208, %add3A_209 : vector<256x8xf32>
    %swap3A_211 = arith.constant 1792 : index
    %swap3A_212 = arith.constant 0 : index
    %swap3A_213 = vector.load %arg12[%swap3A_211, %swap3A_212] : memref<2048x8xf32, #tpu.memory_space<vmem>>, vector<256x8xf32>
    tpu.vector_store %arg12[%swap3A_211, %swap3A_212], %add3A_210 {strides = array<i32>} : memref<2048x8xf32, #tpu.memory_space<vmem>>, vector<256x8xf32>,
    %convert_element_type3A_214 = arith.extf %slice3A_206 : vector<256x8xbf16> to vector<256x8xf32>
    %reduce_sum3A_215 = arith.constant dense<0.000000e+00> : vector<8xf32>
    %reduce_sum3A_216 = vector.multi_reduction <add>, %convert_element_type3A_214, %reduce_sum3A_215 [0] : vector<256x8xf32> to vector<8xf32>
    %broadcast_in_dim3A_217 = vector.shape_cast %reduce_sum3A_216 : vector<8xf32> to vector<1x8xf32>
    %add3A_218 = arith.addf %add3A_205, %broadcast_in_dim3A_217 : vector<1x8xf32>
    %mul3A_219 = arith.constant 0.001953125 : f32
    %mul3A_220 = vector.broadcast %mul3A_219 : f32 to vector<1x8xf32>
    %mul3A_221 = arith.mulf %add3A_218, %mul3A_220 : vector<1x8xf32>
    %ceil3A = math.ceil %mul3A_221 : vector<1x8xf32>
    %iota3A_222 = tpu.iota {dimensions = array<i32: 0>} : vector<8x8xi32>
    %iota3A_223 = tpu.iota {dimensions = array<i32: 1>} : vector<8x8xi32>
    %lt3A_224 = arith.cmpi slt, %iota3A_222, %iota3A_223 : vector<8x8xi32>
    %jit3A_225 = arith.constant 1.000000e+00 : f32
    %jit3A_226 = arith.constant 0.000000e+00 : f32
    %broadcast_in_dim3A_227 = vector.broadcast %jit3A_225 : f32 to vector<8x8xf32>
    %broadcast_in_dim3A_228 = vector.broadcast %jit3A_226 : f32 to vector<8x8xf32>
    %select_n3A_229 = arith.select %lt3A_224, %broadcast_in_dim3A_227, %broadcast_in_dim3A_228 : vector<8x8xi1>, vector<8x8xf32>
    %dot_general3A_230 = arith.constant dense<0.000000e+00> : vector<1x8xf32>
    %dot_general3A_231 = tpu.matmul %ceil3A, %select_n3A_229, %dot_general3A_230 {dimension_numbers = #tpu.dot_dimension_numbers<[1], [0], [0], [1], [0, 0, 1, 1], [], []>, transpose_lhs_hint = false} : vector<1x8xf32>, vector<8x8xf32>, vector<1x8xf32> -> vector<1x8xf32>
    %reduce_sum3A_232 = arith.constant dense<0.000000e+00> : vector<1xf32>
    %reduce_sum3A_233 = vector.multi_reduction <add>, %ceil3A, %reduce_sum3A_232 [1] : vector<1x8xf32> to vector<1xf32>
    %broadcast_in_dim3A_234 = vector.shape_cast %reduce_sum3A_233 : vector<1xf32> to vector<1x1xf32>
    %mul3A_235 = arith.constant 5.120000e+02 : f32
    %mul3A_236 = vector.broadcast %mul3A_235 : f32 to vector<1x8xf32>
    %mul3A_237 = arith.mulf %dot_general3A_231, %mul3A_236 : vector<1x8xf32>
    %get3A_238 = arith.constant 0 : index
    %get3A_239 = arith.constant 0 : index
    %get3A_240 = vector.load %arg12[%get3A_238, %get3A_239] : memref<2048x8xf32, #tpu.memory_space<vmem>>, vector<2048x8xf32>
    %add3A_241 = vector.broadcast %mul3A_237 : vector<1x8xf32> to vector<2048x8xf32>
    %add3A_242 = arith.addf %add3A_241, %get3A_240 : vector<2048x8xf32>
    %jit3A_243 = arith.constant 0.000000e+00 : f32
    %broadcast_in_dim3A_244 = vector.broadcast %jit3A_243 : f32 to vector<2048x8xf32>
    %select_n3A_245 = arith.select %eq3A_92, %add3A_242, %broadcast_in_dim3A_244 : vector<2048x8xi1>, vector<2048x8xf32>
    %reduce_sum3A_246 = arith.constant dense<0.000000e+00> : vector<2048xf32>
    %reduce_sum3A_247 = vector.multi_reduction <add>, %select_n3A_245, %reduce_sum3A_246 [1] : vector<2048x8xf32> to vector<2048xf32>
    %broadcast_in_dim3A_248 = vector.shape_cast %reduce_sum3A_247 : vector<2048xf32> to vector<2048x1xf32>
    %jit3A_249 = arith.constant 0.000000e+00 : f32
    %broadcast_in_dim3A_250 = vector.broadcast %jit3A_249 : f32 to vector<2048x8xf32>
    %select_n3A_251 = arith.select %eq3A_94, %add3A_242, %broadcast_in_dim3A_250 : vector<2048x8xi1>, vector<2048x8xf32>
    %reduce_sum3A_252 = arith.constant dense<0.000000e+00> : vector<2048xf32>
    %reduce_sum3A_253 = vector.multi_reduction <add>, %select_n3A_251, %reduce_sum3A_252 [1] : vector<2048x8xf32> to vector<2048xf32>
    %broadcast_in_dim3A_254 = vector.shape_cast %reduce_sum3A_253 : vector<2048xf32> to vector<2048x1xf32>
    %convert_element_type3A_255 = arith.fptosi %broadcast_in_dim3A_248 : vector<2048x1xf32> to vector<2048x1xi32>
    %reshape3A = vector.shape_cast %convert_element_type3A_255 : vector<2048x1xi32> to vector<2048xi32>
    %swap3A_256 = arith.constant 0 : index
    %swap3A_257 = vector.load %arg6[%swap3A_256] : memref<2048xi32, #tpu.memory_space<vmem>>, vector<2048xi32>
    tpu.vector_store %arg6[%swap3A_256], %reshape3A {strides = array<i32>} : memref<2048xi32, #tpu.memory_space<vmem>>, vector<2048xi32>,
    %convert_element_type3A_258 = arith.fptosi %broadcast_in_dim3A_254 : vector<2048x1xf32> to vector<2048x1xi32>
    %reshape3A_259 = vector.shape_cast %convert_element_type3A_258 : vector<2048x1xi32> to vector<2048xi32>
    %swap3A_260 = arith.constant 0 : index
    %swap3A_261 = vector.load %arg7[%swap3A_260] : memref<2048xi32, #tpu.memory_space<vmem>>, vector<2048xi32>
    tpu.vector_store %arg7[%swap3A_260], %reshape3A_259 {strides = array<i32>} : memref<2048xi32, #tpu.memory_space<vmem>>, vector<2048xi32>,
    %broadcast_in_dim3A_262 = arith.constant 0.000000e+00 : f32
    %broadcast_in_dim3A_263 = vector.broadcast %broadcast_in_dim3A_262 : f32 to vector<2048x1xf32>
    %add3A_264 = arith.constant 1.000000e+00 : f32
    %add3A_265 = vector.broadcast %add3A_264 : f32 to vector<2048x1xf32>
    %add3A_266 = arith.addf %broadcast_in_dim3A_263, %add3A_265 : vector<2048x1xf32>
    %convert_element_type3A_267 = arith.extf %convert_element_type3A : vector<2048x8xbf16> to vector<2048x8xf32>
    %dot_general3A_268 = arith.constant dense<0.000000e+00> : vector<8x1xf32>
    %dot_general3A_269 = tpu.matmul %convert_element_type3A_267, %add3A_266, %dot_general3A_268 {dimension_numbers = #tpu.dot_dimension_numbers<[0], [0], [1], [1], [0, 1, 1, 1], [], []>, transpose_lhs_hint = false} : vector<2048x8xf32>, vector<2048x1xf32>, vector<8x1xf32> -> vector<8x1xf32>
    %mul3A_270 = arith.constant 0.001953125 : f32
    %mul3A_271 = vector.broadcast %mul3A_270 : f32 to vector<8x1xf32>
    %mul3A_272 = arith.mulf %dot_general3A_269, %mul3A_271 : vector<8x1xf32>
    %ceil3A_273 = math.ceil %mul3A_272 : vector<8x1xf32>
    %dot_general3A_274 = arith.constant dense<0.000000e+00> : vector<8x1xf32>
    %dot_general3A_275 = tpu.matmul %select_n3A_229, %ceil3A_273, %dot_general3A_274 {dimension_numbers = #tpu.dot_dimension_numbers<[0], [0], [1], [1], [0, 1, 1, 1], [], []>, transpose_lhs_hint = false} : vector<8x8xf32>, vector<8x1xf32>, vector<8x1xf32> -> vector<8x1xf32>
    %iota3A_276 = tpu.iota {dimensions = array<i32: 1>} : vector<8x16xi32>
    %convert_element_type3A_277 = arith.sitofp %iota3A_276 : vector<8x16xi32> to vector<8x16xf32>
    %le3A = vector.broadcast %dot_general3A_275 : vector<8x1xf32> to vector<8x16xf32>
    %le3A_278 = arith.cmpf ole, %le3A, %convert_element_type3A_277 : vector<8x16xf32>
    %jit3A_279 = arith.constant 1.000000e+00 : f32
    %jit3A_280 = arith.constant 0.000000e+00 : f32
    %broadcast_in_dim3A_281 = vector.broadcast %jit3A_279 : f32 to vector<8x16xf32>
    %broadcast_in_dim3A_282 = vector.broadcast %jit3A_280 : f32 to vector<8x16xf32>
    %select_n3A_283 = arith.select %le3A_278, %broadcast_in_dim3A_281, %broadcast_in_dim3A_282 : vector<8x16xi1>, vector<8x16xf32>
    %reduce_sum3A_284 = arith.constant dense<0.000000e+00> : vector<16xf32>
    %reduce_sum3A_285 = vector.multi_reduction <add>, %select_n3A_283, %reduce_sum3A_284 [0] : vector<8x16xf32> to vector<16xf32>
    %broadcast_in_dim3A_286 = vector.shape_cast %reduce_sum3A_285 : vector<16xf32> to vector<1x16xf32>
    %sub3A_287 = arith.constant 1.000000e+00 : f32
    %sub3A_288 = vector.broadcast %sub3A_287 : f32 to vector<1x16xf32>
    %sub3A_289 = arith.subf %broadcast_in_dim3A_286, %sub3A_288 : vector<1x16xf32>
    %iota3A_290 = tpu.iota {dimensions = array<i32: 1>} : vector<1x16xi32>
    %convert_element_type3A_291 = arith.sitofp %iota3A_290 : vector<1x16xi32> to vector<1x16xf32>
    %lt3A_292 = vector.broadcast %broadcast_in_dim3A_234 : vector<1x1xf32> to vector<1x16xf32>
    %lt3A_293 = arith.cmpf olt, %convert_element_type3A_291, %lt3A_292 : vector<1x16xf32>
    %jit3A_294 = arith.constant 1 : i32
    %jit3A_295 = arith.constant 0 : i32
    %broadcast_in_dim3A_296 = vector.broadcast %jit3A_294 : i32 to vector<1x16xi32>
    %broadcast_in_dim3A_297 = vector.broadcast %jit3A_295 : i32 to vector<1x16xi32>
    %select_n3A_298 = arith.select %lt3A_293, %broadcast_in_dim3A_296, %broadcast_in_dim3A_297 : vector<1x16xi1>, vector<1x16xi32>
    %sub3A_299 = arith.constant 1.000000e+00 : f32
    %sub3A_300 = vector.broadcast %sub3A_299 : f32 to vector<1x1xf32>
    %sub3A_301 = arith.subf %broadcast_in_dim3A_234, %sub3A_300 : vector<1x1xf32>
    %le3A_302 = vector.broadcast %sub3A_301 : vector<1x1xf32> to vector<8x1xf32>
    %le3A_303 = arith.cmpf ole, %dot_general3A_275, %le3A_302 : vector<8x1xf32>
    %jit3A_304 = arith.constant 1.000000e+00 : f32
    %jit3A_305 = arith.constant 0.000000e+00 : f32
    %broadcast_in_dim3A_306 = vector.broadcast %jit3A_304 : f32 to vector<8x1xf32>
    %broadcast_in_dim3A_307 = vector.broadcast %jit3A_305 : f32 to vector<8x1xf32>
    %select_n3A_308 = arith.select %le3A_303, %broadcast_in_dim3A_306, %broadcast_in_dim3A_307 : vector<8x1xi1>, vector<8x1xf32>
    %reduce_sum3A_309 = arith.constant dense<0.000000e+00> : vector<1xf32>
    %reduce_sum3A_310 = vector.multi_reduction <add>, %select_n3A_308, %reduce_sum3A_309 [0] : vector<8x1xf32> to vector<1xf32>
    %broadcast_in_dim3A_311 = vector.shape_cast %reduce_sum3A_310 : vector<1xf32> to vector<1x1xf32>
    %sub3A_312 = arith.constant 1.000000e+00 : f32
    %sub3A_313 = vector.broadcast %sub3A_312 : f32 to vector<1x1xf32>
    %sub3A_314 = arith.subf %broadcast_in_dim3A_311, %sub3A_313 : vector<1x1xf32>
    %eq3A_315 = arith.constant 1 : i32
    %eq3A_316 = vector.broadcast %eq3A_315 : i32 to vector<1x16xi32>
    %eq3A_317 = arith.cmpi eq, %select_n3A_298, %eq3A_316 : vector<1x16xi32>
    %broadcast_in_dim3A_318 = vector.shape_cast %sub3A_314 : vector<1x1xf32> to vector<1x1xf32>
    %broadcast_in_dim3A_319 = vector.broadcast %broadcast_in_dim3A_318 : vector<1x1xf32> to vector<1x16xf32>
    %select_n3A_320 = arith.select %eq3A_317, %sub3A_289, %broadcast_in_dim3A_319 : vector<1x16xi1>, vector<1x16xf32>
    %convert_element_type3A_321 = arith.fptosi %select_n3A_320 : vector<1x16xf32> to vector<1x16xi32>
    %reshape3A_322 = vector.shape_cast %convert_element_type3A_321 : vector<1x16xi32> to vector<16xi32>
    %swap3A_323 = arith.constant 0 : index
    %swap3A_324 = vector.load %arg10[%swap3A_323] : memref<16xi32, #tpu.memory_space<vmem>>, vector<16xi32>
    tpu.vector_store %arg10[%swap3A_323], %reshape3A_322 {strides = array<i32>} : memref<16xi32, #tpu.memory_space<vmem>>, vector<16xi32>,
    %reshape3A_325 = vector.shape_cast %select_n3A_298 : vector<1x16xi32> to vector<16xi32>
    %swap3A_326 = arith.constant 0 : index
    %swap3A_327 = vector.load %arg11[%swap3A_326] : memref<16xi32, #tpu.memory_space<vmem>>, vector<16xi32>
    tpu.vector_store %arg11[%swap3A_326], %reshape3A_325 {strides = array<i32>} : memref<16xi32, #tpu.memory_space<vmem>>, vector<16xi32>,
    return
  }
}

</mosaic_0001>

<sc_bundles>
// kernel: kernel.6.cloned.1.call-start
scs
__scs_entry_jumppad:
0x0: {  	(pc) =	sbr.rel $0x88, $3  }
0x1: {  	(tag) =	ssettag $0x0;
	lr =	simm.s32 $0x1  }
0x2: {  	[smem:$0x3F98] =	sst lr;
	_ =	strace $0xD0000000  }
0x3: {  	_ = 	snop  }
0x4: {  	_ = 	snop  }
0x5: {  	_ = 	snop  }
0x6: {  	_ = 	snop  }
0x7: {  	_ = 	snop  }
__scs_overlays_trampoline_lowered:
0x8: {  	[smem:$0x3FA7] =	sst s0  }
0x9: {  	[smem:$0x3FA8] =	sst s1  }
0xa: {  	[smem:$0x3FA9] =	sst s2  }
0xb: {  	[smem:$0x3FAA] =	sst s3  }
0xc: {  	[smem:$0x3FAB] =	sst s4  }
0xd: {  	[smem:$0x3FAC] =	sst s5  }
0xe: {  	[smem:$0x3FAD] =	sst s6  }
0xf: {  	[smem:$0x3FAE] =	sst s7  }
0x10: {  	[smem:$0x3FAF] =	sst s8  }
0x11: {  	[smem:$0x3FB0] =	sst s9;
	s0 =	simm.s32 @!p0 $0x0  }
0x12: {  	s1 =	sld [smem:$0x3F96];
	s0 =	simm.s32 @p0 $0x1  }
0x13: {  	[smem:$0x3FB1] =	sst s0;
	s0 =	simm.s32 @!p1 $0x0  }
0x14: {  	s2 =	sld [smem:$0x3F95];
	s0 =	simm.s32 @p1 $0x1  }
0x15: {  	[smem:$0x3FB2] =	sst s0;
	s0 =	simm.s32 @!p2 $0x0  }
0x16: {  	s3 =	sld [smem:$0x3FDB];
	s0 =	simm.s32 @p2 $0x1  }
0x17: {  	s4 =	simm.s32 $0x1BF5;
	[smem:$0x3FB4] =	sst s0  }
0x18: {  	s0 =	sld [smem:$0x3F97];
	_ =	swait.ge [sflag:s4], $0x0  }
0x19: {  	s7 =	sld [smem:$0x3F98]  }
0x1a: {  	s8 =	sadd.s32 $0xFFFFE003, lr  }
0x1b: {  	s9 =	sadd.s32 $0xFFFFFEF7, lr;
	s5 =	simm.s32 $0xFFFFFFFF;
	p2 =	slt.u32 s8, $0xFFFFF086  }
0x1c: {  	p1 =	slt.u32 s9, $0xF7A;
	s5 =	simm.s32 @!p2 $0x0  }
0x1d: {  	s5 =	simm.s32 @p1 $0x1;
	p0 =	seq.s32 s7, s2  }
0x1e: {  	s7 =	smul.u32 @!p0 $0xF7A, s2;
	p2 =	seq.s32 @!p0 s5, $0x0  }
0x1f: {  	s9 =	smul.u32 $0xF7A, s1;
	s8 =	simm.s32 @!p0 $0x1BF5;
	p2 =	por !p2, p0  }
0x20: {  	[sflag:s8] =	ssyncset.s32 @!p0 $0xFFFFF086;
	s6 =	sadd.s32 @!p0 s3, s7;
	s7 =	simm.s32 @!p0 $0x108  }
0x21: {  	s3 =	sadd.s32 s3, s9;
	s6 =	sadd.s32 @!p0 $0x88, s6;
	s7 =	simm.s32 @p2 $0x1082  }
0x22: {  	[simem:s7], [sflag:s8] =	dma.local @!p0 [hbm:s6], $0xF7A  }
0x23: {  	s9 =	sor.u32 $0xD0000000, s2;
	s6 =	simm.s32 $0x108;
	_ =	swait.ge @!p0 [sflag:s8], $0x0  }
0x24: {  	s3 =	sadd.s32 $0x88, s3;
	s6 =	simm.s32 @!p1 $0x1082;
	[sflag:s4] =	ssyncset.s32 $0xFFFFF086  }
0x25: {  	[simem:s6], [sflag:s4] =	dma.local [hbm:s3], $0xF7A  }
0x26: {  	[smem:$0x3F98] =	sst s1;
	(tag) =	ssettag s2;
	_ =	strace s9  }
0x27: {  	s1 =	sld [smem:$0x3FA8]  }
0x28: {  	s2 =	sld [smem:$0x3FA9]  }
0x29: {  	s4 =	sld [smem:$0x3FAB]  }
0x2a: {  	p0 =	seq.s32 s5, $0x0;
	s5 =	sld [smem:$0x3FAC]  }
0x2b: {  	s6 =	sld [smem:$0x3FAD]  }
0x2c: {  	s7 =	sld [smem:$0x3FAE]  }
0x2d: {  	s3 =	simm.s32 $0x108;
	s8 =	sld [smem:$0x3FAF]  }
0x2e: {  	s3 =	simm.s32 @!p0 $0x1082;
	s9 =	sld [smem:$0x3FB0]  }
0x2f: {  	lr =	sadd.s32 s0, s3;
	s0 =	sld [smem:$0x3FA7]  }
0x30: {  	s3 =	sld [smem:$0x3FAA]  }
0x31: {  	[smem:$0x3FB3] =	sst s10  }
0x32: {  	s10 =	sld [smem:$0x3FB1];
	_ =	sdelay $0x3  }
0x33: {  	p0 =	seq.s32 s10, $0x1;
	s10 =	sld [smem:$0x3FB3];
	_ =	sdelay $0x3  }
0x34: {  	[smem:$0x3FB3] =	sst s10  }
0x35: {  	s10 =	sld [smem:$0x3FB2];
	_ =	sdelay $0x3  }
0x36: {  	p1 =	seq.s32 s10, $0x1;
	s10 =	sld [smem:$0x3FB3];
	_ =	sdelay $0x3  }
0x37: {  	[smem:$0x3FB3] =	sst s10  }
0x38: {  	s10 =	sld [smem:$0x3FB4]  }
0x39: {  	_ = 	snop;
	(pc) =	sbr.ind lr, $3  }
0x3a: {  	_ = 	snop  }
0x3b: {  	_ = 	snop  }
0x3c: {  	p2 =	seq.s32 s10, $0x1;
	s10 =	sld [smem:$0x3FB3]  }
0x3d: {  	_ =	shalt  }
0x3e: {  	_ =	shalt  }
0x3f: {  	_ =	shalt  }
0x40: {  	_ =	shalt  }
0x41: {  	_ =	shalt  }
0x42: {  	_ =	shalt  }
0x43: {  	_ =	shalt  }
0x44: {  	_ =	shalt  }
0x45: {  	_ =	shalt  }
0x46: {  	_ =	shalt  }
0x47: {  	_ =	shalt  }
0x48: {  	_ =	shalt  }
0x49: {  	_ =	shalt  }
0x4a: {  	_ =	shalt  }
0x4b: {  	_ =	shalt  }
0x4c: {  	_ =	shalt  }
0x4d: {  	_ =	shalt  }
0x4e: {  	_ =	shalt  }
0x4f: {  	_ =	shalt  }
0x50: {  	_ =	shalt  }
0x51: {  	_ =	shalt  }
0x52: {  	_ =	shalt  }
0x53: {  	_ =	shalt  }
0x54: {  	_ =	shalt  }
0x55: {  	_ =	shalt  }
0x56: {  	_ =	shalt  }
0x57: {  	_ =	shalt  }
0x58: {  	_ =	shalt  }
0x59: {  	_ =	shalt  }
0x5a: {  	_ =	shalt  }
0x5b: {  	_ =	shalt  }
0x5c: {  	_ =	shalt  }
0x5d: {  	_ =	shalt  }
0x5e: {  	_ =	shalt  }
0x5f: {  	_ =	shalt  }
0x60: {  	_ =	shalt  }
0x61: {  	_ =	shalt  }
0x62: {  	_ =	shalt  }
0x63: {  	_ =	shalt  }
0x64: {  	_ =	shalt  }
0x65: {  	_ =	shalt  }
0x66: {  	_ =	shalt  }
0x67: {  	_ =	shalt  }
0x68: {  	_ =	shalt  }
0x69: {  	_ =	shalt  }
0x6a: {  	_ =	shalt  }
0x6b: {  	_ =	shalt  }
0x6c: {  	_ =	shalt  }
0x6d: {  	_ =	shalt  }
0x6e: {  	_ =	shalt  }
0x6f: {  	_ =	shalt  }
0x70: {  	_ =	shalt  }
0x71: {  	_ =	shalt  }
0x72: {  	_ =	shalt  }
0x73: {  	_ =	shalt  }
0x74: {  	_ =	shalt  }
0x75: {  	_ =	shalt  }
0x76: {  	_ =	shalt  }
0x77: {  	_ =	shalt  }
0x78: {  	_ =	shalt  }
0x79: {  	_ =	shalt  }
0x7a: {  	_ =	shalt  }
0x7b: {  	_ =	shalt  }
0x7c: {  	_ =	shalt  }
0x7d: {  	_ =	shalt  }
0x7e: {  	_ =	shalt  }
0x7f: {  	_ =	shalt  }
0x80: {  	_ =	shalt  }
0x81: {  	_ =	shalt  }
0x82: {  	_ =	shalt  }
0x83: {  	_ =	shalt  }
0x84: {  	_ =	shalt  }
0x85: {  	_ =	shalt  }
0x86: {  	_ =	shalt  }
0x87: {  	_ =	shalt  }
.Lfunc_end0:
.L_simem_size_0:
called_computation_lowered:
.L_overlay_start_0:
0x88: {  	s2 =	sld [smem:$0x3FD9]  }
0x89: {  	s3 =	sld [smem:$0x3FFE];
	_ =	sdelay $0x1  }
0x8a: {  	s1 =	srdreg.scid  }
0x8b: {  	s0 =	sand.u32 $0x1, s1  }
0x8c: {  	s17 =	sshll.u32 s0, $0xA;
	s2 =	sadd.s32 s3, s2  }
0x8d: {  	s2 =	sadd.s32 s2, s17  }
0x8e: {  	[smem:$0x3FBF] =	sst s2  }
0x8f: {  	_ = 	snop  }
0x90: {  	s2 =	sld [smem:$0x3FD0];
	(tm) =	ssettm $0x1  }
0x91: {  	s18 =	sld [smem:$0x3FFB];
	_ =	sdelay $0x3  }
0x92: {  	_ =	strace s18  }
0x93: {  	s3 =	sld [smem:$0x3FFC];
	_ =	sdelay $0x3  }
0x94: {  	_ =	strace s3  }
0x95: {  	s3 =	sld [smem:$0x3FFD];
	_ =	sdelay $0x3  }
0x96: {  	_ =	strace s3  }
0x97: {  	_ =	strace $0x8FFFFFFF  }
0x98: {  	s19 =	sld [smem:$0x3FDB];
	_ =	sdelay $0x1  }
0x99: {  	s4 =	simm.s32 $_scs_section_size  }
0x9a: {  	s5 =	simm.s32 $_size__tile_overlayer_lowered;
	s6 =	simm.s32 $_tile_overlayer_lowered  }
0x9b: {  	s22 =	simm.s32 $0x1BFF;
	s21 =	sshll.u32 s6, $0x1;
	s3 =	sadd.s32 s4, s19  }
0x9c: {  	s7 =	simm.s32 $0x0;
	s20 =	sshll.u32 s5, $0x1;
	s5 =	sadd.s32 s21, s3  }
0x9d: {  	[timem:s7], [sflag:s22] =	dma.local [hbm:s5], s20  }
0x9e: {  	_ =	swait.ge [sflag:s22], s20  }
0x9f: {  	s4 =	ssub.s32 $0x0, s20;
	[sflag:s22] =	ssyncset.done $0x0  }
0xa0: {  	[sflag:s22] =	ssyncadd.s32 s4;
	_ =	sdelay $0x1  }
0xa1: {  	s23 =	simm.s32 $0x1B8B  }
0xa2: {  	_ =	swait.ge [sflag:s23], $0x1  }
0xa3: {  	[sflag:s23] =	ssyncset.done $0x0  }
0xa4: {  	s25 =	simm.s32 $0x1B8E;
	s24 =	sld [smem:$0x3FFE];
	[sflag:s23] =	ssyncadd.s32 $0xFFFFFFFF  }
0xa5: {  	s26 =	simm.s32 $execute0_lowered;
	[smem:$0x3FD2] =	sst s25  }
0xa6: {  	s5 =	sshll.u32 s26, $0x1;
	_ =	strace $0x80000046;
	[dreg:$0x1] =	wrdreg $0xFFFFFFFF  }
0xa7: {  	s28 =	simm.s32 $_size_execute0_lowered;
	s3 =	sadd.s32 s3, s5;
	[dreg:$0x0] =	wrdreg $0x0  }
0xa8: {  	s5 =	sshll.u32 s28, $0x1;
	[dreg:$0x2] =	wrdreg s3  }
0xa9: {  	[dreg:$0x3] =	wrdreg s5  }
0xaa: {  	[dreg:$0x4] =	wrdreg $0xC0  }
0xab: {  	_ =	task [dreg:s7], $0x5FFFF  }
0xac: {  	[dreg:$0x1] =	wrdreg $0xFFFFFFFF  }
0xad: {  	[dreg:$0x0] =	wrdreg $0x60  }
0xae: {  	[dreg:$0x2] =	wrdreg s2  }
0xaf: {  	[dreg:$0x3] =	wrdreg s24  }
0xb0: {  	[dreg:$0x4] =	wrdreg $0x9  }
0xb1: {  	_ =	task.clear_ibuf [dreg:s7], $0x5FFFF;
	_ =	strace $0x90000046  }
0xb2: {  	s29 =	simm.s32 $0x9;
	_ =	strace $0x80000048  }
0xb3: {  	_ =	swait.ge [sflag:s29], $0x1  }
0xb4: {  	[sflag:s29] =	ssyncadd.s32 $0xFFFFFFFF  }
0xb5: {  	_ =	strace $0x90000048  }
0xb6: {  	_ =	sfence  }
0xb7: {  	s30 =	sld [smem:$0x0];
	_ =	sdelay $0x2  }
0xb8: {  	s31 =	sshll.u32 s1, $0xD;
	s1 =	sshrl.u32 s1, $0x2  }
0xb9: {  	s3 =	sand.u32 $0x4000, s31;
	s1 =	sadd.s32 s1, s30  }
0xba: {  	s0 =	sor.u32 s3, s0;
	s1 =	sshll.u32 s1, $0x11  }
0xbb: {  	s0 =	sor.u32 s1, s0  }
0xbc: {  	s0 =	sadd.s32 $0x8F2B, s0  }
0xbd: {  	[sflag:s0] =	ssyncadd.remote.s32 $0x1  }
0xbe: {  	_ =	sfence.sel $0xFFFF  }
0xbf: {  	[dreg:$0x0] =	wrdreg $0xFFFFFFFF;
	(pc) =	sbr.abs _section_cstart, $3  }
0xc0: {  	[dreg:$0x1] =	wrdreg $0xFFFFFFFF  }
0xc1: {  	_ =	task.clear_ibuf [dreg:s7], $0x2FFFF;
	_ =	strace $0x9FFFFFFF  }
0xc2: {  	(tm) =	ssettm $0x7FFFFFFF  }
0xc3: {  	_ =	shalt  }
tec
execute0_lowered:
.L_overlay_start_1:
0x0: {  	(tag) =	ssettag $0x1  }
0x1: {  	s0 =	srdreg.scid  }
0x2: {  	s1 =	rddreg [dreg:$0x0];
	s2 =	stileid.u32  }
0x3: {  	s6 =	rddreg [dreg:$0x1];
	s9 =	simm.s32 $0x2;
	s12 =	simm.s32 $0x1  }
0x4: {  	s15 =	simm.s32 $0x880;
	s16 =	simm.s32 $0x1080;
	s17 =	simm.s32 $0x1880  }
0x5: {  	s18 =	simm.s32 $0x2080;
	s19 =	simm.s32 $0x2880;
	s20 =	simm.s32 $0x3080  }
0x6: {  	s28 =	simm.s32 $0x6880;
	s29 =	simm.s32 $0x7080;
	s30 =	simm.s32 $0x7880  }
0x7: {  	s31 =	simm.s32 $0x8080;
	s11 =	simm.s32 $0x9880;
	s13 =	simm.s32 $0xA080  }
0x8: {  	s0 =	sand.u32 $0x1, s0;
	s3 =	sshll.u32 s2, $0x7;
	s2 =	simm.s32 $0x0  }
0x9: {  	s21 =	sadd.s32 $0x12A00, s6;
	s4 =	sshll.u32 s0, $0x6;
	[smem:$0x7FF] =	sst s2  }
0xa: {  	s0 =	ssub.s32 $0x2, s0;
	s3 =	sor.u32 s4, s3;
	_ =	strace $0x80000047  }
0xb: {  	[dreg:$0x8] =	wrdreg s21;
	s22 =	sshrl.u32 s0, $0x1;
	s21 =	simm.s32 $0x3880  }
0xc: {  	s4 =	sshrl.u32 s3, $0x3;
	s3 =	sshll.u32 s3, $0x4;
	s0 =	ssub.s32 s0, s22  }
0xd: {  	s22 =	simm.s32 $0x4080;
	s5 =	smul.u32 $0x300, s4;
	s7 =	sadd.s32 s3, s6  }
0xe: {  	s8 =	sadd.s32 s4, s6;
	s3 =	sadd.s32 $0x32A00, s6;
	s4 =	simm.s32 $0x80  }
0xf: {  	s23 =	sadd.s32 $0x12800, s8;
	s24 =	sadd.s32 $0x2600, s7;
	s25 =	sadd.s32 $0x12600, s8  }
0x10: {  	s26 =	sadd.s32 $0xA600, s7;
	s7 =	smax.u32 s0, $0x1;
	[dreg:$0x4] =	wrdreg s23  }
0x11: {  	s0 =	simm.s32 $0xC080;
	s1 =	sadd.s32 s1, s5;
	[dreg:$0x5] =	wrdreg s24  }
0x12: {  	v2 =	vlaneseq.u32;
	s5 =	sadd.s32 $0x32B00, s6;
	s6 =	sadd.s32 $0x32C00, s6;
	[dreg:$0x6] =	wrdreg s25  }
0x13: {  	vm0 =	vmmov $0xffff;
	v1 =	vshrl.u32 v2, $0x3;
	[dreg:$0x7] =	wrdreg s26;
	s23 =	simm.s32 $0x4880;
	s24 =	simm.s32 $0x5080  }
0x14: {  	v0 =	vand.u32 $0x7, v2;
	v2 =	vor.u32 $0x8, v2;
	v1 =	vmul.u32 $0x8, v1;
	s25 =	simm.s32 $0x5880;
	s26 =	simm.s32 $0x6080;
	[dreg:$0x3] =	wrdreg s1  }
.LBB2_1:
0x15: {  	s14 =	rddreg [dreg:$0x3]  }
0x16: {  	[tilespmem:s4], [sflag:$0x2] =	stream.linear.gather [hbm4b:s14+s2], $0xC000, $0x38;
	[tilespmem:$0xE080] =	vst v63  }
0x17: {  	_ =	swait.ge [sflag:s9], $0xC000  }
0x18: {  	[sflag:s9] =	ssyncset.done $0x0  }
0x19: {  	s8 =	rddreg [dreg:$0x4];
	[sflag:s9] =	ssyncadd.s32 $0xFFFF4000  }
0x1a: {  	[tilespmem:s2], [sflag:$0x2] =	stream.linear.gather [hbm4b:s8+s2], $0x40, $0x38;
	[tilespmem:$0xE080] =	vst v63  }
0x1b: {  	_ =	swait.ge [sflag:s9], $0x40  }
0x1c: {  	[sflag:s9] =	ssyncset.done $0x0  }
0x1d: {  	s10 =	rddreg [dreg:$0x5];
	[sflag:s9] =	ssyncadd.s32 $0xFFFFFFC0  }
0x1e: {  	[tilespmem:s0], [sflag:$0x2] =	stream.linear.gather [hbm4b:s10+s2], $0x2000, $0x38;
	[tilespmem:$0xE080] =	vst v63  }
0x1f: {  	_ =	swait.ge [sflag:s9], $0x2000  }
0x20: {  	[sflag:s9] =	ssyncset.done $0x0  }
0x21: {  	[sflag:s9] =	ssyncadd.s32 $0xFFFFE000  }
0x22: {  	v3 =	vld [tilespmem:$0x0];
	_ =	sdelay $0x4  }
0x23: {  	v4 =	vshrl.u32 v3, $0x3  }
0x24: {  	v4 =	vmul.u32 $0x30, v4  }
0x25: {  	v3 =	vand.u32 $0x7, v3  }
0x26: {  	v3 =	vor.u32 v3, v4  }
0x27: {  	v4 =	vperm.xlane v3, v0;
	_ =	sdelay $0x1  }
0x28: {  	v4 =	vadd.s32 v1, v4;
	_ =	sdelay $0x3  }
0x29: {  	v3 =	vperm.xlane v3, v2  }
0x2a: {  	[hbm4b:s3+s2] =	stream.indirect_vreg.scatter [tilespmem:s4], [sflag:$0x1], $0x80, v4, vm0, $0xb8;
	[tilespmem:$0xE080] =	vst v63  }
0x2b: {  	v3 =	vadd.s32 v1, v3  }
0x2c: {  	[hbm4b:s5+s2] =	stream.indirect_vreg.scatter [tilespmem:s15], [sflag:$0x1], $0x80, v4, vm0, $0xb8;
	[tilespmem:$0xE080] =	vst v63  }
0x2d: {  	_ = 	snop  }
0x2e: {  	[hbm4b:s6+s2] =	stream.indirect_vreg.scatter [tilespmem:s16], [sflag:$0x1], $0x80, v4, vm0, $0xb8;
	[tilespmem:$0xE080] =	vst v63  }
0x2f: {  	_ = 	snop  }
0x30: {  	[hbm4b:s3+s2] =	stream.indirect_vreg.scatter [tilespmem:s17], [sflag:$0x1], $0x80, v3, vm0, $0xb8;
	[tilespmem:$0xE080] =	vst v63  }
0x31: {  	_ = 	snop  }
0x32: {  	[hbm4b:s5+s2] =	stream.indirect_vreg.scatter [tilespmem:s18], [sflag:$0x1], $0x80, v3, vm0, $0xb8;
	[tilespmem:$0xE080] =	vst v63  }
0x33: {  	_ = 	snop  }
0x34: {  	[hbm4b:s6+s2] =	stream.indirect_vreg.scatter [tilespmem:s19], [sflag:$0x1], $0x80, v3, vm0, $0xb8;
	[tilespmem:$0xE080] =	vst v63  }
0x35: {  	v3 =	vld [tilespmem:$0x10];
	_ =	sdelay $0x4  }
0x36: {  	v57 =	vshrl.u32 v3, $0x3  }
0x37: {  	v4 =	vmul.u32 $0x30, v57  }
0x38: {  	v3 =	vand.u32 $0x7, v3  }
0x39: {  	v3 =	vor.u32 v3, v4  }
0x3a: {  	v4 =	vperm.xlane v3, v0;
	_ =	sdelay $0x1  }
0x3b: {  	v4 =	vadd.s32 v1, v4;
	_ =	sdelay $0x3  }
0x3c: {  	v3 =	vperm.xlane v3, v2  }
0x3d: {  	[hbm4b:s3+s2] =	stream.indirect_vreg.scatter [tilespmem:s20], [sflag:$0x1], $0x80, v4, vm0, $0xb8;
	[tilespmem:$0xE080] =	vst v63  }
0x3e: {  	v3 =	vadd.s32 v1, v3  }
0x3f: {  	[hbm4b:s5+s2] =	stream.indirect_vreg.scatter [tilespmem:s21], [sflag:$0x1], $0x80, v4, vm0, $0xb8;
	[tilespmem:$0xE080] =	vst v63  }
0x40: {  	_ = 	snop  }
0x41: {  	[hbm4b:s6+s2] =	stream.indirect_vreg.scatter [tilespmem:s22], [sflag:$0x1], $0x80, v4, vm0, $0xb8;
	[tilespmem:$0xE080] =	vst v63  }
0x42: {  	_ = 	snop  }
0x43: {  	[hbm4b:s3+s2] =	stream.indirect_vreg.scatter [tilespmem:s23], [sflag:$0x1], $0x80, v3, vm0, $0xb8;
	[tilespmem:$0xE080] =	vst v63  }
0x44: {  	_ = 	snop  }
0x45: {  	[hbm4b:s5+s2] =	stream.indirect_vreg.scatter [tilespmem:s24], [sflag:$0x1], $0x80, v3, vm0, $0xb8;
	[tilespmem:$0xE080] =	vst v63  }
0x46: {  	_ = 	snop  }
0x47: {  	[hbm4b:s6+s2] =	stream.indirect_vreg.scatter [tilespmem:s25], [sflag:$0x1], $0x80, v3, vm0, $0xb8;
	[tilespmem:$0xE080] =	vst v63  }
0x48: {  	v3 =	vld [tilespmem:$0x20];
	_ =	sdelay $0x4  }
0x49: {  	v58 =	vshrl.u32 v3, $0x3  }
0x4a: {  	v4 =	vmul.u32 $0x30, v58  }
0x4b: {  	v3 =	vand.u32 $0x7, v3  }
0x4c: {  	v3 =	vor.u32 v3, v4  }
0x4d: {  	v4 =	vperm.xlane v3, v0;
	_ =	sdelay $0x1  }
0x4e: {  	v4 =	vadd.s32 v1, v4;
	_ =	sdelay $0x3  }
0x4f: {  	v3 =	vperm.xlane v3, v2  }
0x50: {  	[hbm4b:s3+s2] =	stream.indirect_vreg.scatter [tilespmem:s26], [sflag:$0x1], $0x80, v4, vm0, $0xb8;
	[tilespmem:$0xE080] =	vst v63  }
0x51: {  	v3 =	vadd.s32 v1, v3  }
0x52: {  	[hbm4b:s5+s2] =	stream.indirect_vreg.scatter [tilespmem:s28], [sflag:$0x1], $0x80, v4, vm0, $0xb8;
	[tilespmem:$0xE080] =	vst v63  }
0x53: {  	_ = 	snop  }
0x54: {  	[hbm4b:s6+s2] =	stream.indirect_vreg.scatter [tilespmem:s29], [sflag:$0x1], $0x80, v4, vm0, $0xb8;
	[tilespmem:$0xE080] =	vst v63  }
0x55: {  	_ = 	snop  }
0x56: {  	[hbm4b:s3+s2] =	stream.indirect_vreg.scatter [tilespmem:s30], [sflag:$0x1], $0x80, v3, vm0, $0xb8;
	[tilespmem:$0xE080] =	vst v63  }
0x57: {  	_ = 	snop  }
0x58: {  	[hbm4b:s5+s2] =	stream.indirect_vreg.scatter [tilespmem:s31], [sflag:$0x1], $0x80, v3, vm0, $0xb8;
	[tilespmem:$0xE080] =	vst v63  }
0x59: {  	s1 =	simm.s32 $0x8880  }
0x5a: {  	[hbm4b:s6+s2] =	stream.indirect_vreg.scatter [tilespmem:s1], [sflag:$0x1], $0x80, v3, vm0, $0xb8;
	[tilespmem:$0xE080] =	vst v63  }
0x5b: {  	v3 =	vld [tilespmem:$0x30];
	_ =	sdelay $0x4  }
0x5c: {  	v59 =	vshrl.u32 v3, $0x3  }
0x5d: {  	v4 =	vmul.u32 $0x30, v59  }
0x5e: {  	v3 =	vand.u32 $0x7, v3  }
0x5f: {  	v3 =	vor.u32 v3, v4  }
0x60: {  	v4 =	vperm.xlane v3, v0;
	_ =	sdelay $0x1  }
0x61: {  	v4 =	vadd.s32 v1, v4;
	_ =	sdelay $0x3  }
0x62: {  	s8 =	simm.s32 $0x9080;
	v3 =	vperm.xlane v3, v2  }
0x63: {  	[hbm4b:s3+s2] =	stream.indirect_vreg.scatter [tilespmem:s8], [sflag:$0x1], $0x80, v4, vm0, $0xb8;
	[tilespmem:$0xE080] =	vst v63  }
0x64: {  	v3 =	vadd.s32 v1, v3  }
0x65: {  	[hbm4b:s5+s2] =	stream.indirect_vreg.scatter [tilespmem:s11], [sflag:$0x1], $0x80, v4, vm0, $0xb8;
	[tilespmem:$0xE080] =	vst v63  }
0x66: {  	_ = 	snop  }
0x67: {  	[hbm4b:s6+s2] =	stream.indirect_vreg.scatter [tilespmem:s13], [sflag:$0x1], $0x80, v4, vm0, $0xb8;
	[tilespmem:$0xE080] =	vst v63  }
0x68: {  	s8 =	simm.s32 $0xA880  }
0x69: {  	[hbm4b:s3+s2] =	stream.indirect_vreg.scatter [tilespmem:s8], [sflag:$0x1], $0x80, v3, vm0, $0xb8;
	[tilespmem:$0xE080] =	vst v63  }
0x6a: {  	s10 =	simm.s32 $0xB080  }
0x6b: {  	[hbm4b:s5+s2] =	stream.indirect_vreg.scatter [tilespmem:s10], [sflag:$0x1], $0x80, v3, vm0, $0xb8;
	[tilespmem:$0xE080] =	vst v63  }
0x6c: {  	s14 =	simm.s32 $0xB880  }
0x6d: {  	[hbm4b:s6+s2] =	stream.indirect_vreg.scatter [tilespmem:s14], [sflag:$0x1], $0x80, v3, vm0, $0xb8;
	[tilespmem:$0xE080] =	vst v63  }
0x6e: {  	_ =	swait.ge [sflag:s12], $0xC000  }
0x6f: {  	[sflag:s12] =	ssyncset.done $0x0  }
0x70: {  	s14 =	simm.s32 $0x40;
	s10 =	rddreg [dreg:$0x8];
	[sflag:s12] =	ssyncadd.s32 $0xFFFF4000  }
0x71: {  	[hbm4b:s10+s14] =	stream.indirect.scatter [tilespmem:s0], [sflag:$0x1], $0x80, s2, s14, $0xb8;
	[tilespmem:$0xE080] =	vst v63  }
0x72: {  	_ =	swait.ge [sflag:s12], $0x2000  }
0x73: {  	[sflag:s12] =	ssyncset.done $0x0  }
0x74: {  	s14 =	rddreg [dreg:$0x6];
	[sflag:s12] =	ssyncadd.s32 $0xFFFFE000  }
0x75: {  	[tilespmem:s2], [sflag:$0x2] =	stream.linear.gather [hbm4b:s14+s2], $0x40, $0x38;
	[tilespmem:$0xE080] =	vst v63  }
0x76: {  	_ =	swait.ge [sflag:s9], $0x40  }
0x77: {  	[sflag:s9] =	ssyncset.done $0x0  }
0x78: {  	s14 =	rddreg [dreg:$0x7];
	[sflag:s9] =	ssyncadd.s32 $0xFFFFFFC0  }
0x79: {  	[tilespmem:s0], [sflag:$0x2] =	stream.linear.gather [hbm4b:s14+s2], $0x2000, $0x38;
	[tilespmem:$0xE080] =	vst v63  }
0x7a: {  	_ =	swait.ge [sflag:s9], $0x2000  }
0x7b: {  	[sflag:s9] =	ssyncset.done $0x0  }
0x7c: {  	[sflag:s9] =	ssyncadd.s32 $0xFFFFE000  }
0x7d: {  	v3 =	vld [tilespmem:$0x0];
	_ =	sdelay $0x4  }
0x7e: {  	v60 =	vshrl.u32 v3, $0x3  }
0x7f: {  	v4 =	vmul.u32 $0x30, v60  }
0x80: {  	v3 =	vand.u32 $0x7, v3  }
0x81: {  	v3 =	vor.u32 v3, v4  }
0x82: {  	v4 =	vperm.xlane v3, v0;
	_ =	sdelay $0x1  }
0x83: {  	v4 =	vadd.s32 v1, v4;
	_ =	sdelay $0x3  }
0x84: {  	v3 =	vperm.xlane v3, v2  }
0x85: {  	[hbm4b:s3+s2] =	stream.indirect_vreg.scatter [tilespmem:s4], [sflag:$0x1], $0x80, v4, vm0, $0xb8;
	[tilespmem:$0xE080] =	vst v63  }
0x86: {  	v3 =	vadd.s32 v1, v3  }
0x87: {  	[hbm4b:s5+s2] =	stream.indirect_vreg.scatter [tilespmem:s15], [sflag:$0x1], $0x80, v4, vm0, $0xb8;
	[tilespmem:$0xE080] =	vst v63  }
0x88: {  	_ = 	snop  }
0x89: {  	[hbm4b:s6+s2] =	stream.indirect_vreg.scatter [tilespmem:s16], [sflag:$0x1], $0x80, v4, vm0, $0xb8;
	[tilespmem:$0xE080] =	vst v63  }
0x8a: {  	_ = 	snop  }
0x8b: {  	[hbm4b:s3+s2] =	stream.indirect_vreg.scatter [tilespmem:s17], [sflag:$0x1], $0x80, v3, vm0, $0xb8;
	[tilespmem:$0xE080] =	vst v63  }
0x8c: {  	_ = 	snop  }
0x8d: {  	[hbm4b:s5+s2] =	stream.indirect_vreg.scatter [tilespmem:s18], [sflag:$0x1], $0x80, v3, vm0, $0xb8;
	[tilespmem:$0xE080] =	vst v63  }
0x8e: {  	_ = 	snop  }
0x8f: {  	[hbm4b:s6+s2] =	stream.indirect_vreg.scatter [tilespmem:s19], [sflag:$0x1], $0x80, v3, vm0, $0xb8;
	[tilespmem:$0xE080] =	vst v63  }
0x90: {  	v3 =	vld [tilespmem:$0x10];
	_ =	sdelay $0x4  }
0x91: {  	v61 =	vshrl.u32 v3, $0x3  }
0x92: {  	v4 =	vmul.u32 $0x30, v61  }
0x93: {  	v3 =	vand.u32 $0x7, v3  }
0x94: {  	v3 =	vor.u32 v3, v4  }
0x95: {  	v4 =	vperm.xlane v3, v0;
	_ =	sdelay $0x1  }
0x96: {  	v4 =	vadd.s32 v1, v4;
	_ =	sdelay $0x3  }
0x97: {  	v3 =	vperm.xlane v3, v2  }
0x98: {  	[hbm4b:s3+s2] =	stream.indirect_vreg.scatter [tilespmem:s20], [sflag:$0x1], $0x80, v4, vm0, $0xb8;
	[tilespmem:$0xE080] =	vst v63  }
0x99: {  	v3 =	vadd.s32 v1, v3  }
0x9a: {  	[hbm4b:s5+s2] =	stream.indirect_vreg.scatter [tilespmem:s21], [sflag:$0x1], $0x80, v4, vm0, $0xb8;
	[tilespmem:$0xE080] =	vst v63  }
0x9b: {  	_ = 	snop  }
0x9c: {  	[hbm4b:s6+s2] =	stream.indirect_vreg.scatter [tilespmem:s22], [sflag:$0x1], $0x80, v4, vm0, $0xb8;
	[tilespmem:$0xE080] =	vst v63  }
0x9d: {  	_ = 	snop  }
0x9e: {  	[hbm4b:s3+s2] =	stream.indirect_vreg.scatter [tilespmem:s23], [sflag:$0x1], $0x80, v3, vm0, $0xb8;
	[tilespmem:$0xE080] =	vst v63  }
0x9f: {  	_ = 	snop  }
0xa0: {  	[hbm4b:s5+s2] =	stream.indirect_vreg.scatter [tilespmem:s24], [sflag:$0x1], $0x80, v3, vm0, $0xb8;
	[tilespmem:$0xE080] =	vst v63  }
0xa1: {  	_ = 	snop  }
0xa2: {  	[hbm4b:s6+s2] =	stream.indirect_vreg.scatter [tilespmem:s25], [sflag:$0x1], $0x80, v3, vm0, $0xb8;
	[tilespmem:$0xE080] =	vst v63  }
0xa3: {  	v3 =	vld [tilespmem:$0x20];
	_ =	sdelay $0x4  }
0xa4: {  	v62 =	vshrl.u32 v3, $0x3  }
0xa5: {  	v4 =	vmul.u32 $0x30, v62  }
0xa6: {  	v3 =	vand.u32 $0x7, v3  }
0xa7: {  	v3 =	vor.u32 v3, v4  }
0xa8: {  	v4 =	vperm.xlane v3, v0;
	_ =	sdelay $0x1  }
0xa9: {  	v4 =	vadd.s32 v1, v4;
	_ =	sdelay $0x3  }
0xaa: {  	v3 =	vperm.xlane v3, v2  }
0xab: {  	[hbm4b:s3+s2] =	stream.indirect_vreg.scatter [tilespmem:s26], [sflag:$0x1], $0x80, v4, vm0, $0xb8;
	[tilespmem:$0xE080] =	vst v63  }
0xac: {  	v3 =	vadd.s32 v1, v3  }
0xad: {  	[hbm4b:s5+s2] =	stream.indirect_vreg.scatter [tilespmem:s28], [sflag:$0x1], $0x80, v4, vm0, $0xb8;
	[tilespmem:$0xE080] =	vst v63  }
0xae: {  	_ = 	snop  }
0xaf: {  	[hbm4b:s6+s2] =	stream.indirect_vreg.scatter [tilespmem:s29], [sflag:$0x1], $0x80, v4, vm0, $0xb8;
	[tilespmem:$0xE080] =	vst v63  }
0xb0: {  	_ = 	snop  }
0xb1: {  	[hbm4b:s3+s2] =	stream.indirect_vreg.scatter [tilespmem:s30], [sflag:$0x1], $0x80, v3, vm0, $0xb8;
	[tilespmem:$0xE080] =	vst v63  }
0xb2: {  	_ = 	snop  }
0xb3: {  	[hbm4b:s5+s2] =	stream.indirect_vreg.scatter [tilespmem:s31], [sflag:$0x1], $0x80, v3, vm0, $0xb8;
	[tilespmem:$0xE080] =	vst v63  }
0xb4: {  	_ = 	snop  }
0xb5: {  	[hbm4b:s6+s2] =	stream.indirect_vreg.scatter [tilespmem:s1], [sflag:$0x1], $0x80, v3, vm0, $0xb8;
	[tilespmem:$0xE080] =	vst v63  }
0xb6: {  	v3 =	vld [tilespmem:$0x30];
	_ =	sdelay $0x4  }
0xb7: {  	v63 =	vshrl.u32 v3, $0x3  }
0xb8: {  	v4 =	vmul.u32 $0x30, v63  }
0xb9: {  	v3 =	vand.u32 $0x7, v3  }
0xba: {  	v3 =	vor.u32 v3, v4  }
0xbb: {  	v4 =	vperm.xlane v3, v0;
	_ =	sdelay $0x1  }
0xbc: {  	v4 =	vadd.s32 v1, v4;
	_ =	sdelay $0x3  }
0xbd: {  	s14 =	simm.s32 $0x9080;
	v3 =	vperm.xlane v3, v2  }
0xbe: {  	[hbm4b:s3+s2] =	stream.indirect_vreg.scatter [tilespmem:s14], [sflag:$0x1], $0x80, v4, vm0, $0xb8;
	[tilespmem:$0xE080] =	vst v63  }
0xbf: {  	v3 =	vadd.s32 v1, v3  }
0xc0: {  	[hbm4b:s5+s2] =	stream.indirect_vreg.scatter [tilespmem:s11], [sflag:$0x1], $0x80, v4, vm0, $0xb8;
	[tilespmem:$0xE080] =	vst v63  }
0xc1: {  	_ = 	snop  }
0xc2: {  	[hbm4b:s6+s2] =	stream.indirect_vreg.scatter [tilespmem:s13], [sflag:$0x1], $0x80, v4, vm0, $0xb8;
	[tilespmem:$0xE080] =	vst v63  }
0xc3: {  	_ = 	snop  }
0xc4: {  	[hbm4b:s3+s2] =	stream.indirect_vreg.scatter [tilespmem:s8], [sflag:$0x1], $0x80, v3, vm0, $0xb8;
	[tilespmem:$0xE080] =	vst v63  }
0xc5: {  	s14 =	simm.s32 $0xB080  }
0xc6: {  	[hbm4b:s5+s2] =	stream.indirect_vreg.scatter [tilespmem:s14], [sflag:$0x1], $0x80, v3, vm0, $0xb8;
	[tilespmem:$0xE080] =	vst v63  }
0xc7: {  	s8 =	simm.s32 $0xB880  }
0xc8: {  	[hbm4b:s6+s2] =	stream.indirect_vreg.scatter [tilespmem:s8], [sflag:$0x1], $0x80, v3, vm0, $0xb8;
	[tilespmem:$0xE080] =	vst v63  }
0xc9: {  	_ =	swait.ge [sflag:s12], $0xC000  }
0xca: {  	p0 =	sne.s32 s7, $0x1;
	[sflag:s12] =	ssyncset.done $0x0  }
.Ltmp0:
0xcb: {  	s14 =	simm.s32 $0x40;
	[sflag:s12] =	ssyncadd.s32 $0xFFFF4000;
	(pc) =	sbr.rel @p0 .LBB2_1-.Ltmp0, $4  }
0xcc: {  	[hbm4b:s10+s14] =	stream.indirect.scatter [tilespmem:s0], [sflag:$0x1], $0x80, s2, s14, $0xb8;
	[tilespmem:$0xE080] =	vst v63  }
0xcd: {  	_ =	swait.ge [sflag:s12], $0x2000  }
0xce: {  	[sflag:s12] =	ssyncset.done $0x0  }
0xcf: {  	s7 =	sadd.s32 $0xFFFFFFFF, s7;
	[sflag:s12] =	ssyncadd.s32 $0xFFFFE000  }
0xd0: {  	_ =	sfence.sel $0x180000  }
0xd1: {  	[bflag:$0x0] =	sbarrier.arrive $0xFFFF  }
0xd2: {  	_ =	strace $0x90000047  }
0xd3: {  	s0 =	stileid.u32;
	[bflag:$0x2] =	sbarrier.arrive $0xFFFF  }
0xd4: {  	p0 =	sne.s32 s0, $0x0;
	s0 =	rddreg [dreg:$0x2]  }
0xd5: {  	s0 =	sadd.s32 @!p0 $0x100000, s0  }
0xd6: {  	[sflag:s0] =	ssyncadd.tile.s32 @!p0 $0x1;
	_ =	shalt  }
.Lfunc_end2:
_tile_overlayer_lowered:
.L_overlay_start_2:
0xd7: {  	(tag) =	ssettag $0x2  }
0xd8: {  	s0 =	rddreg [dreg:$0x0];
	s2 =	stileid.u32  }
0xd9: {  	s1 =	rddreg [dreg:$0x1];
	p0 =	sne.s32 s2, $0x0  }
0xda: {  	s3 =	rddreg [dreg:$0x2];
	[bflag:$0x3] =	sbarrier.arrive $0xFFFF;
	s2 =	simm.s32 @!p0 $0x1C02  }
0xdb: {  	[timem:s3], [sflag:s2] =	dma.local @!p0 [hbm:s0], s1  }
0xdc: {  	s0 =	simm.s32 @!p0 $0x2  }
0xdd: {  	_ =	swait.ge @!p0 [sflag:s0], s1  }
0xde: {  	s1 =	ssub.s32 @!p0 $0x0, s1;
	[sflag:s0] =	ssyncset.done @!p0 $0x0  }
0xdf: {  	[sflag:s0] =	ssyncadd.s32 @!p0 s1  }
0xe0: {  	[bflag:$0x3] =	sbarrier.arrive $0xFFFF  }
0xe1: {  	_ =	shalt  }

// kernel: kernel.9.cloned.1.call-start
scs
__scs_entry_jumppad:
0x0: {  	(pc) =	sbr.rel $0x88, $3  }
0x1: {  	(tag) =	ssettag $0x0;
	lr =	simm.s32 $0x1  }
0x2: {  	[smem:$0x3F98] =	sst lr;
	_ =	strace $0xD0000000  }
0x3: {  	_ = 	snop  }
0x4: {  	_ = 	snop  }
0x5: {  	_ = 	snop  }
0x6: {  	_ = 	snop  }
0x7: {  	_ = 	snop  }
__scs_overlays_trampoline_lowered:
0x8: {  	[smem:$0x3FA7] =	sst s0  }
0x9: {  	[smem:$0x3FA8] =	sst s1  }
0xa: {  	[smem:$0x3FA9] =	sst s2  }
0xb: {  	[smem:$0x3FAA] =	sst s3  }
0xc: {  	[smem:$0x3FAB] =	sst s4  }
0xd: {  	[smem:$0x3FAC] =	sst s5  }
0xe: {  	[smem:$0x3FAD] =	sst s6  }
0xf: {  	[smem:$0x3FAE] =	sst s7  }
0x10: {  	[smem:$0x3FAF] =	sst s8  }
0x11: {  	[smem:$0x3FB0] =	sst s9;
	s0 =	simm.s32 @!p0 $0x0  }
0x12: {  	s1 =	sld [smem:$0x3F96];
	s0 =	simm.s32 @p0 $0x1  }
0x13: {  	[smem:$0x3FB1] =	sst s0;
	s0 =	simm.s32 @!p1 $0x0  }
0x14: {  	s2 =	sld [smem:$0x3F95];
	s0 =	simm.s32 @p1 $0x1  }
0x15: {  	[smem:$0x3FB2] =	sst s0;
	s0 =	simm.s32 @!p2 $0x0  }
0x16: {  	s3 =	sld [smem:$0x3FDB];
	s0 =	simm.s32 @p2 $0x1  }
0x17: {  	s4 =	simm.s32 $0x1BF5;
	[smem:$0x3FB4] =	sst s0  }
0x18: {  	s0 =	sld [smem:$0x3F97];
	_ =	swait.ge [sflag:s4], $0x0  }
0x19: {  	s7 =	sld [smem:$0x3F98]  }
0x1a: {  	s8 =	sadd.s32 $0xFFFFE003, lr  }
0x1b: {  	s9 =	sadd.s32 $0xFFFFFEF7, lr;
	s5 =	simm.s32 $0xFFFFFFFF;
	p2 =	slt.u32 s8, $0xFFFFF086  }
0x1c: {  	p1 =	slt.u32 s9, $0xF7A;
	s5 =	simm.s32 @!p2 $0x0  }
0x1d: {  	s5 =	simm.s32 @p1 $0x1;
	p0 =	seq.s32 s7, s2  }
0x1e: {  	s7 =	smul.u32 @!p0 $0xF7A, s2;
	p2 =	seq.s32 @!p0 s5, $0x0  }
0x1f: {  	s9 =	smul.u32 $0xF7A, s1;
	s8 =	simm.s32 @!p0 $0x1BF5;
	p2 =	por !p2, p0  }
0x20: {  	[sflag:s8] =	ssyncset.s32 @!p0 $0xFFFFF086;
	s6 =	sadd.s32 @!p0 s3, s7;
	s7 =	simm.s32 @!p0 $0x108  }
0x21: {  	s3 =	sadd.s32 s3, s9;
	s6 =	sadd.s32 @!p0 $0x88, s6;
	s7 =	simm.s32 @p2 $0x1082  }
0x22: {  	[simem:s7], [sflag:s8] =	dma.local @!p0 [hbm:s6], $0xF7A  }
0x23: {  	s9 =	sor.u32 $0xD0000000, s2;
	s6 =	simm.s32 $0x108;
	_ =	swait.ge @!p0 [sflag:s8], $0x0  }
0x24: {  	s3 =	sadd.s32 $0x88, s3;
	s6 =	simm.s32 @!p1 $0x1082;
	[sflag:s4] =	ssyncset.s32 $0xFFFFF086  }
0x25: {  	[simem:s6], [sflag:s4] =	dma.local [hbm:s3], $0xF7A  }
0x26: {  	[smem:$0x3F98] =	sst s1;
	(tag) =	ssettag s2;
	_ =	strace s9  }
0x27: {  	s1 =	sld [smem:$0x3FA8]  }
0x28: {  	s2 =	sld [smem:$0x3FA9]  }
0x29: {  	s4 =	sld [smem:$0x3FAB]  }
0x2a: {  	p0 =	seq.s32 s5, $0x0;
	s5 =	sld [smem:$0x3FAC]  }
0x2b: {  	s6 =	sld [smem:$0x3FAD]  }
0x2c: {  	s7 =	sld [smem:$0x3FAE]  }
0x2d: {  	s3 =	simm.s32 $0x108;
	s8 =	sld [smem:$0x3FAF]  }
0x2e: {  	s3 =	simm.s32 @!p0 $0x1082;
	s9 =	sld [smem:$0x3FB0]  }
0x2f: {  	lr =	sadd.s32 s0, s3;
	s0 =	sld [smem:$0x3FA7]  }
0x30: {  	s3 =	sld [smem:$0x3FAA]  }
0x31: {  	[smem:$0x3FB3] =	sst s10  }
0x32: {  	s10 =	sld [smem:$0x3FB1];
	_ =	sdelay $0x3  }
0x33: {  	p0 =	seq.s32 s10, $0x1;
	s10 =	sld [smem:$0x3FB3];
	_ =	sdelay $0x3  }
0x34: {  	[smem:$0x3FB3] =	sst s10  }
0x35: {  	s10 =	sld [smem:$0x3FB2];
	_ =	sdelay $0x3  }
0x36: {  	p1 =	seq.s32 s10, $0x1;
	s10 =	sld [smem:$0x3FB3];
	_ =	sdelay $0x3  }
0x37: {  	[smem:$0x3FB3] =	sst s10  }
0x38: {  	s10 =	sld [smem:$0x3FB4]  }
0x39: {  	_ = 	snop;
	(pc) =	sbr.ind lr, $3  }
0x3a: {  	_ = 	snop  }
0x3b: {  	_ = 	snop  }
0x3c: {  	p2 =	seq.s32 s10, $0x1;
	s10 =	sld [smem:$0x3FB3]  }
0x3d: {  	_ =	shalt  }
0x3e: {  	_ =	shalt  }
0x3f: {  	_ =	shalt  }
0x40: {  	_ =	shalt  }
0x41: {  	_ =	shalt  }
0x42: {  	_ =	shalt  }
0x43: {  	_ =	shalt  }
0x44: {  	_ =	shalt  }
0x45: {  	_ =	shalt  }
0x46: {  	_ =	shalt  }
0x47: {  	_ =	shalt  }
0x48: {  	_ =	shalt  }
0x49: {  	_ =	shalt  }
0x4a: {  	_ =	shalt  }
0x4b: {  	_ =	shalt  }
0x4c: {  	_ =	shalt  }
0x4d: {  	_ =	shalt  }
0x4e: {  	_ =	shalt  }
0x4f: {  	_ =	shalt  }
0x50: {  	_ =	shalt  }
0x51: {  	_ =	shalt  }
0x52: {  	_ =	shalt  }
0x53: {  	_ =	shalt  }
0x54: {  	_ =	shalt  }
0x55: {  	_ =	shalt  }
0x56: {  	_ =	shalt  }
0x57: {  	_ =	shalt  }
0x58: {  	_ =	shalt  }
0x59: {  	_ =	shalt  }
0x5a: {  	_ =	shalt  }
0x5b: {  	_ =	shalt  }
0x5c: {  	_ =	shalt  }
0x5d: {  	_ =	shalt  }
0x5e: {  	_ =	shalt  }
0x5f: {  	_ =	shalt  }
0x60: {  	_ =	shalt  }
0x61: {  	_ =	shalt  }
0x62: {  	_ =	shalt  }
0x63: {  	_ =	shalt  }
0x64: {  	_ =	shalt  }
0x65: {  	_ =	shalt  }
0x66: {  	_ =	shalt  }
0x67: {  	_ =	shalt  }
0x68: {  	_ =	shalt  }
0x69: {  	_ =	shalt  }
0x6a: {  	_ =	shalt  }
0x6b: {  	_ =	shalt  }
0x6c: {  	_ =	shalt  }
0x6d: {  	_ =	shalt  }
0x6e: {  	_ =	shalt  }
0x6f: {  	_ =	shalt  }
0x70: {  	_ =	shalt  }
0x71: {  	_ =	shalt  }
0x72: {  	_ =	shalt  }
0x73: {  	_ =	shalt  }
0x74: {  	_ =	shalt  }
0x75: {  	_ =	shalt  }
0x76: {  	_ =	shalt  }
0x77: {  	_ =	shalt  }
0x78: {  	_ =	shalt  }
0x79: {  	_ =	shalt  }
0x7a: {  	_ =	shalt  }
0x7b: {  	_ =	shalt  }
0x7c: {  	_ =	shalt  }
0x7d: {  	_ =	shalt  }
0x7e: {  	_ =	shalt  }
0x7f: {  	_ =	shalt  }
0x80: {  	_ =	shalt  }
0x81: {  	_ =	shalt  }
0x82: {  	_ =	shalt  }
0x83: {  	_ =	shalt  }
0x84: {  	_ =	shalt  }
0x85: {  	_ =	shalt  }
0x86: {  	_ =	shalt  }
0x87: {  	_ =	shalt  }
.Lfunc_end0:
.L_simem_size_0:
called_computation.1_lowered:
.L_overlay_start_0:
0x88: {  	s2 =	sld [smem:$0x3FD9]  }
0x89: {  	s3 =	sld [smem:$0x3FFE];
	_ =	sdelay $0x1  }
0x8a: {  	s1 =	srdreg.scid  }
0x8b: {  	s0 =	sand.u32 $0x1, s1  }
0x8c: {  	s17 =	sshll.u32 s0, $0xA;
	s2 =	sadd.s32 s3, s2  }
0x8d: {  	s2 =	sadd.s32 s2, s17  }
0x8e: {  	[smem:$0x3FBF] =	sst s2  }
0x8f: {  	_ = 	snop  }
0x90: {  	s2 =	sld [smem:$0x3FD0];
	(tm) =	ssettm $0x1  }
0x91: {  	s18 =	sld [smem:$0x3FFB];
	_ =	sdelay $0x3  }
0x92: {  	_ =	strace s18  }
0x93: {  	s3 =	sld [smem:$0x3FFC];
	_ =	sdelay $0x3  }
0x94: {  	_ =	strace s3  }
0x95: {  	s3 =	sld [smem:$0x3FFD];
	_ =	sdelay $0x3  }
0x96: {  	_ =	strace s3  }
0x97: {  	_ =	strace $0x8FFFFFFF  }
0x98: {  	s19 =	sld [smem:$0x3FDB];
	_ =	sdelay $0x1  }
0x99: {  	s4 =	simm.s32 $_scs_section_size  }
0x9a: {  	s5 =	simm.s32 $_size__tile_overlayer_lowered;
	s6 =	simm.s32 $_tile_overlayer_lowered  }
0x9b: {  	s22 =	simm.s32 $0x1BFF;
	s21 =	sshll.u32 s6, $0x1;
	s3 =	sadd.s32 s4, s19  }
0x9c: {  	s7 =	simm.s32 $0x0;
	s20 =	sshll.u32 s5, $0x1;
	s5 =	sadd.s32 s21, s3  }
0x9d: {  	[timem:s7], [sflag:s22] =	dma.local [hbm:s5], s20  }
0x9e: {  	_ =	swait.ge [sflag:s22], s20  }
0x9f: {  	s4 =	ssub.s32 $0x0, s20;
	[sflag:s22] =	ssyncset.done $0x0  }
0xa0: {  	[sflag:s22] =	ssyncadd.s32 s4;
	_ =	sdelay $0x1  }
0xa1: {  	s23 =	simm.s32 $0x1B8B  }
0xa2: {  	_ =	swait.ge [sflag:s23], $0x1  }
0xa3: {  	[sflag:s23] =	ssyncset.done $0x0  }
0xa4: {  	s25 =	simm.s32 $0x1B8E;
	s24 =	sld [smem:$0x3FFE];
	[sflag:s23] =	ssyncadd.s32 $0xFFFFFFFF  }
0xa5: {  	s26 =	simm.s32 $execute0_lowered;
	[smem:$0x3FD2] =	sst s25  }
0xa6: {  	s5 =	sshll.u32 s26, $0x1;
	_ =	strace $0x80000049;
	[dreg:$0x1] =	wrdreg $0xFFFFFFFF  }
0xa7: {  	s28 =	simm.s32 $_size_execute0_lowered;
	s3 =	sadd.s32 s3, s5;
	[dreg:$0x0] =	wrdreg $0x0  }
0xa8: {  	s5 =	sshll.u32 s28, $0x1;
	[dreg:$0x2] =	wrdreg s3  }
0xa9: {  	[dreg:$0x3] =	wrdreg s5  }
0xaa: {  	[dreg:$0x4] =	wrdreg $0xC0  }
0xab: {  	_ =	task [dreg:s7], $0x5FFFF  }
0xac: {  	[dreg:$0x1] =	wrdreg $0xFFFFFFFF  }
0xad: {  	[dreg:$0x0] =	wrdreg $0x60  }
0xae: {  	[dreg:$0x2] =	wrdreg s24  }
0xaf: {  	[dreg:$0x3] =	wrdreg s2  }
0xb0: {  	[dreg:$0x4] =	wrdreg $0x9  }
0xb1: {  	_ =	task.clear_ibuf [dreg:s7], $0x5FFFF;
	_ =	strace $0x90000049  }
0xb2: {  	s29 =	simm.s32 $0x9;
	_ =	strace $0x8000004B  }
0xb3: {  	_ =	swait.ge [sflag:s29], $0x1  }
0xb4: {  	[sflag:s29] =	ssyncadd.s32 $0xFFFFFFFF  }
0xb5: {  	_ =	strace $0x9000004B  }
0xb6: {  	_ =	sfence  }
0xb7: {  	s30 =	sld [smem:$0x0];
	_ =	sdelay $0x2  }
0xb8: {  	s31 =	sshll.u32 s1, $0xD;
	s1 =	sshrl.u32 s1, $0x2  }
0xb9: {  	s3 =	sand.u32 $0x4000, s31;
	s1 =	sadd.s32 s1, s30  }
0xba: {  	s0 =	sor.u32 s3, s0;
	s1 =	sshll.u32 s1, $0x11  }
0xbb: {  	s0 =	sor.u32 s1, s0  }
0xbc: {  	s0 =	sadd.s32 $0x8F2B, s0  }
0xbd: {  	[sflag:s0] =	ssyncadd.remote.s32 $0x1  }
0xbe: {  	_ =	sfence.sel $0xFFFF  }
0xbf: {  	[dreg:$0x0] =	wrdreg $0xFFFFFFFF;
	(pc) =	sbr.abs _section_cstart, $3  }
0xc0: {  	[dreg:$0x1] =	wrdreg $0xFFFFFFFF  }
0xc1: {  	_ =	task.clear_ibuf [dreg:s7], $0x2FFFF;
	_ =	strace $0x9FFFFFFF  }
0xc2: {  	(tm) =	ssettm $0x7FFFFFFF  }
0xc3: {  	_ =	shalt  }
tec
execute0_lowered:
.L_overlay_start_1:
0x0: {  	(tag) =	ssettag $0x1  }
0x1: {  	s0 =	rddreg [dreg:$0x0]  }
0x2: {  	s1 =	rddreg [dreg:$0x1]  }
0x3: {  	s2 =	simm.s32 $0x0;
	s3 =	srdreg.scid;
	s5 =	stileid.u32  }
0x4: {  	s13 =	simm.s32 $0x100;
	s17 =	simm.s32 $0xC100;
	s15 =	simm.s32 $0x15100  }
0x5: {  	s16 =	simm.s32 $0x15900;
	s18 =	simm.s32 $0x16100;
	s19 =	simm.s32 $0x16900  }
0x6: {  	s20 =	simm.s32 $0x17100;
	s21 =	simm.s32 $0x17900;
	s22 =	simm.s32 $0x1  }
0x7: {  	s23 =	simm.s32 $0x2;
	s24 =	simm.s32 $0x3;
	s25 =	simm.s32 $0x4  }
0x8: {  	s26 =	simm.s32 $0x0;
	[smem:$0x7FF] =	sst s2;
	s4 =	sand.u32 $0x1, s3  }
0x9: {  	s5 =	sshll.u32 s5, $0x4;
	s3 =	sadd.s32 $0xF2A00, s0;
	s6 =	sshll.u32 s4, $0x3  }
0xa: {  	_ =	strace $0x8000004A;
	s4 =	ssub.s32 $0x2, s4;
	s5 =	sor.u32 s6, s5  }
0xb: {  	s7 =	sshrl.u32 s4, $0x1;
	s6 =	sadd.s32 s5, s0;
	s8 =	smul.u32 $0x1800, s5  }
0xc: {  	s10 =	ssub.s32 s4, s7;
	s9 =	smul.u32 $0x300, s5;
	s7 =	sadd.s32 $0xF2C00, s0  }
0xd: {  	v2 =	vlaneseq.u32;
	s4 =	sadd.s32 $0x12800, s6;
	s5 =	sadd.s32 $0x12600, s6;
	s11 =	sshrl.u32 s8, $0x3  }
0xe: {  	vm0 =	vmmov $0xffff;
	v1 =	vshrl.u32 v2, $0x3;
	s6 =	sadd.s32 $0xF2B00, s0;
	s10 =	smax.u32 s10, $0x1;
	s31 =	sadd.s32 s1, s11  }
0xf: {  	v0 =	vand.u32 $0x7, v2;
	v2 =	vor.u32 $0x8, v2;
	v1 =	vmul.u32 $0x8, v1;
	s8 =	sadd.s32 s1, s9;
	s11 =	simm.s32 $0x5;
	s9 =	sadd.s32 $0xC00, s31  }
.LBB2_1:
0x10: {  	[tilespmem:s2], [sflag:$0x5] =	stream.linear.gather [hbm4b:s4+s2], $0x40, $0x38;
	[tilespmem:$0x18100] =	vst v63  }
0x11: {  	_ =	swait.ge [sflag:s11], $0x40  }
0x12: {  	[sflag:s11] =	ssyncset.done $0x0  }
0x13: {  	s0 =	simm.s32 $0x80;
	[sflag:s11] =	ssyncadd.s32 $0xFFFFFFC0  }
0x14: {  	[tilespmem:s0], [sflag:$0x5] =	stream.linear.gather [hbm4b:s5+s2], $0x40, $0x38;
	[tilespmem:$0x18100] =	vst v63  }
0x15: {  	_ =	swait.ge [sflag:s11], $0x40  }
0x16: {  	[sflag:s11] =	ssyncset.done $0x0  }
0x17: {  	[sflag:s11] =	ssyncadd.s32 $0xFFFFFFC0  }
0x18: {  	v3 =	vld [tilespmem:$0x0];
	_ =	sdelay $0x4  }
0x19: {  	v4 =	vshrl.u32 v3, $0x3  }
0x1a: {  	v4 =	vmul.u32 $0x30, v4  }
0x1b: {  	v3 =	vand.u32 $0x7, v3  }
0x1c: {  	v3 =	vor.u32 v3, v4  }
0x1d: {  	v4 =	vperm.xlane v3, v0;
	_ =	sdelay $0x1  }
0x1e: {  	v4 =	vadd.s32 v1, v4;
	_ =	sdelay $0x3  }
0x1f: {  	v3 =	vperm.xlane v3, v2  }
0x20: {  	[tilespmem:s13], [sflag:$0x1] =	stream.indirect_vreg.gather [hbm4b:s3+s2], $0x80, v4, vm0, $0xb8;
	[tilespmem:$0x18100] =	vst v63  }
0x21: {  	s14 =	simm.s32 $0x900;
	v3 =	vadd.s32 v1, v3  }
0x22: {  	[tilespmem:s14], [sflag:$0x1] =	stream.indirect_vreg.gather [hbm4b:s6+s2], $0x80, v4, vm0, $0xb8;
	[tilespmem:$0x18100] =	vst v63  }
0x23: {  	s29 =	simm.s32 $0x1100  }
0x24: {  	[tilespmem:s29], [sflag:$0x1] =	stream.indirect_vreg.gather [hbm4b:s7+s2], $0x80, v4, vm0, $0xb8;
	[tilespmem:$0x18100] =	vst v63  }
0x25: {  	s30 =	simm.s32 $0x1900  }
0x26: {  	[tilespmem:s30], [sflag:$0x1] =	stream.indirect_vreg.gather [hbm4b:s3+s2], $0x80, v3, vm0, $0xb8;
	[tilespmem:$0x18100] =	vst v63  }
0x27: {  	s31 =	simm.s32 $0x2100  }
0x28: {  	[tilespmem:s31], [sflag:$0x1] =	stream.indirect_vreg.gather [hbm4b:s6+s2], $0x80, v3, vm0, $0xb8;
	[tilespmem:$0x18100] =	vst v63  }
0x29: {  	s1 =	simm.s32 $0x2900  }
0x2a: {  	[tilespmem:s1], [sflag:$0x1] =	stream.indirect_vreg.gather [hbm4b:s7+s2], $0x80, v3, vm0, $0xb8;
	[tilespmem:$0x18100] =	vst v63  }
0x2b: {  	v3 =	vld [tilespmem:$0x10];
	_ =	sdelay $0x4  }
0x2c: {  	v57 =	vshrl.u32 v3, $0x3  }
0x2d: {  	v4 =	vmul.u32 $0x30, v57  }
0x2e: {  	v3 =	vand.u32 $0x7, v3  }
0x2f: {  	v3 =	vor.u32 v3, v4  }
0x30: {  	v4 =	vperm.xlane v3, v0;
	_ =	sdelay $0x1  }
0x31: {  	v4 =	vadd.s32 v1, v4;
	_ =	sdelay $0x3  }
0x32: {  	s12 =	simm.s32 $0x3100;
	v3 =	vperm.xlane v3, v2  }
0x33: {  	[tilespmem:s12], [sflag:$0x1] =	stream.indirect_vreg.gather [hbm4b:s3+s2], $0x80, v4, vm0, $0xb8;
	[tilespmem:$0x18100] =	vst v63  }
0x34: {  	s14 =	simm.s32 $0x3900;
	v3 =	vadd.s32 v1, v3  }
0x35: {  	[tilespmem:s14], [sflag:$0x1] =	stream.indirect_vreg.gather [hbm4b:s6+s2], $0x80, v4, vm0, $0xb8;
	[tilespmem:$0x18100] =	vst v63  }
0x36: {  	s29 =	simm.s32 $0x4100  }
0x37: {  	[tilespmem:s29], [sflag:$0x1] =	stream.indirect_vreg.gather [hbm4b:s7+s2], $0x80, v4, vm0, $0xb8;
	[tilespmem:$0x18100] =	vst v63  }
0x38: {  	s30 =	simm.s32 $0x4900  }
0x39: {  	[tilespmem:s30], [sflag:$0x1] =	stream.indirect_vreg.gather [hbm4b:s3+s2], $0x80, v3, vm0, $0xb8;
	[tilespmem:$0x18100] =	vst v63  }
0x3a: {  	s31 =	simm.s32 $0x5100  }
0x3b: {  	[tilespmem:s31], [sflag:$0x1] =	stream.indirect_vreg.gather [hbm4b:s6+s2], $0x80, v3, vm0, $0xb8;
	[tilespmem:$0x18100] =	vst v63  }
0x3c: {  	s1 =	simm.s32 $0x5900  }
0x3d: {  	[tilespmem:s1], [sflag:$0x1] =	stream.indirect_vreg.gather [hbm4b:s7+s2], $0x80, v3, vm0, $0xb8;
	[tilespmem:$0x18100] =	vst v63  }
0x3e: {  	v3 =	vld [tilespmem:$0x80];
	_ =	sdelay $0x4  }
0x3f: {  	v58 =	vshrl.u32 v3, $0x3  }
0x40: {  	v4 =	vmul.u32 $0x30, v58  }
0x41: {  	v3 =	vand.u32 $0x7, v3  }
0x42: {  	v3 =	vor.u32 v3, v4  }
0x43: {  	v4 =	vperm.xlane v3, v0;
	_ =	sdelay $0x1  }
0x44: {  	v4 =	vadd.s32 v1, v4;
	_ =	sdelay $0x3  }
0x45: {  	s12 =	simm.s32 $0x6100;
	v3 =	vperm.xlane v3, v2  }
0x46: {  	[tilespmem:s12], [sflag:$0x2] =	stream.indirect_vreg.gather [hbm4b:s3+s2], $0x80, v4, vm0, $0xb8;
	[tilespmem:$0x18100] =	vst v63  }
0x47: {  	s14 =	simm.s32 $0x6900;
	v3 =	vadd.s32 v1, v3  }
0x48: {  	[tilespmem:s14], [sflag:$0x2] =	stream.indirect_vreg.gather [hbm4b:s6+s2], $0x80, v4, vm0, $0xb8;
	[tilespmem:$0x18100] =	vst v63  }
0x49: {  	s29 =	simm.s32 $0x7100  }
0x4a: {  	[tilespmem:s29], [sflag:$0x2] =	stream.indirect_vreg.gather [hbm4b:s7+s2], $0x80, v4, vm0, $0xb8;
	[tilespmem:$0x18100] =	vst v63  }
0x4b: {  	s30 =	simm.s32 $0x7900  }
0x4c: {  	[tilespmem:s30], [sflag:$0x2] =	stream.indirect_vreg.gather [hbm4b:s3+s2], $0x80, v3, vm0, $0xb8;
	[tilespmem:$0x18100] =	vst v63  }
0x4d: {  	s31 =	simm.s32 $0x8100  }
0x4e: {  	[tilespmem:s31], [sflag:$0x2] =	stream.indirect_vreg.gather [hbm4b:s6+s2], $0x80, v3, vm0, $0xb8;
	[tilespmem:$0x18100] =	vst v63  }
0x4f: {  	s1 =	simm.s32 $0x8900  }
0x50: {  	[tilespmem:s1], [sflag:$0x2] =	stream.indirect_vreg.gather [hbm4b:s7+s2], $0x80, v3, vm0, $0xb8;
	[tilespmem:$0x18100] =	vst v63  }
0x51: {  	v3 =	vld [tilespmem:$0x90];
	_ =	sdelay $0x4  }
0x52: {  	v59 =	vshrl.u32 v3, $0x3  }
0x53: {  	v4 =	vmul.u32 $0x30, v59  }
0x54: {  	v3 =	vand.u32 $0x7, v3  }
0x55: {  	v3 =	vor.u32 v3, v4  }
0x56: {  	v4 =	vperm.xlane v3, v0;
	_ =	sdelay $0x1  }
0x57: {  	v4 =	vadd.s32 v1, v4;
	_ =	sdelay $0x3  }
0x58: {  	s12 =	simm.s32 $0x9100;
	v3 =	vperm.xlane v3, v2  }
0x59: {  	[tilespmem:s12], [sflag:$0x2] =	stream.indirect_vreg.gather [hbm4b:s3+s2], $0x80, v4, vm0, $0xb8;
	[tilespmem:$0x18100] =	vst v63  }
0x5a: {  	s14 =	simm.s32 $0x9900;
	v3 =	vadd.s32 v1, v3  }
0x5b: {  	[tilespmem:s14], [sflag:$0x2] =	stream.indirect_vreg.gather [hbm4b:s6+s2], $0x80, v4, vm0, $0xb8;
	[tilespmem:$0x18100] =	vst v63  }
0x5c: {  	s29 =	simm.s32 $0xA100  }
0x5d: {  	[tilespmem:s29], [sflag:$0x2] =	stream.indirect_vreg.gather [hbm4b:s7+s2], $0x80, v4, vm0, $0xb8;
	[tilespmem:$0x18100] =	vst v63  }
0x5e: {  	s30 =	simm.s32 $0xA900  }
0x5f: {  	[tilespmem:s30], [sflag:$0x2] =	stream.indirect_vreg.gather [hbm4b:s3+s2], $0x80, v3, vm0, $0xb8;
	[tilespmem:$0x18100] =	vst v63  }
0x60: {  	s31 =	simm.s32 $0xB100  }
0x61: {  	[tilespmem:s31], [sflag:$0x2] =	stream.indirect_vreg.gather [hbm4b:s6+s2], $0x80, v3, vm0, $0xb8;
	[tilespmem:$0x18100] =	vst v63  }
0x62: {  	s1 =	simm.s32 $0xB900  }
0x63: {  	[tilespmem:s1], [sflag:$0x2] =	stream.indirect_vreg.gather [hbm4b:s7+s2], $0x80, v3, vm0, $0xb8;
	[tilespmem:$0x18100] =	vst v63  }
0x64: {  	v3 =	vld [tilespmem:$0x20];
	_ =	sdelay $0x4  }
0x65: {  	v60 =	vshrl.u32 v3, $0x3  }
0x66: {  	v4 =	vmul.u32 $0x30, v60  }
0x67: {  	v3 =	vand.u32 $0x7, v3  }
0x68: {  	v3 =	vor.u32 v3, v4  }
0x69: {  	v4 =	vperm.xlane v3, v0;
	_ =	sdelay $0x1  }
0x6a: {  	v4 =	vadd.s32 v1, v4;
	_ =	sdelay $0x3  }
0x6b: {  	v3 =	vperm.xlane v3, v2  }
0x6c: {  	[tilespmem:s17], [sflag:$0x3] =	stream.indirect_vreg.gather [hbm4b:s3+s2], $0x80, v4, vm0, $0xb8;
	[tilespmem:$0x18100] =	vst v63  }
0x6d: {  	s12 =	simm.s32 $0xC900;
	v3 =	vadd.s32 v1, v3  }
0x6e: {  	[tilespmem:s12], [sflag:$0x3] =	stream.indirect_vreg.gather [hbm4b:s6+s2], $0x80, v4, vm0, $0xb8;
	[tilespmem:$0x18100] =	vst v63  }
0x6f: {  	s14 =	simm.s32 $0xD100  }
0x70: {  	[tilespmem:s14], [sflag:$0x3] =	stream.indirect_vreg.gather [hbm4b:s7+s2], $0x80, v4, vm0, $0xb8;
	[tilespmem:$0x18100] =	vst v63  }
0x71: {  	s29 =	simm.s32 $0xD900  }
0x72: {  	[tilespmem:s29], [sflag:$0x3] =	stream.indirect_vreg.gather [hbm4b:s3+s2], $0x80, v3, vm0, $0xb8;
	[tilespmem:$0x18100] =	vst v63  }
0x73: {  	s30 =	simm.s32 $0xE100  }
0x74: {  	[tilespmem:s30], [sflag:$0x3] =	stream.indirect_vreg.gather [hbm4b:s6+s2], $0x80, v3, vm0, $0xb8;
	[tilespmem:$0x18100] =	vst v63  }
0x75: {  	s31 =	simm.s32 $0xE900  }
0x76: {  	[tilespmem:s31], [sflag:$0x3] =	stream.indirect_vreg.gather [hbm4b:s7+s2], $0x80, v3, vm0, $0xb8;
	[tilespmem:$0x18100] =	vst v63  }
0x77: {  	v3 =	vld [tilespmem:$0x30];
	_ =	sdelay $0x4  }
0x78: {  	v61 =	vshrl.u32 v3, $0x3  }
0x79: {  	v4 =	vmul.u32 $0x30, v61  }
0x7a: {  	v3 =	vand.u32 $0x7, v3  }
0x7b: {  	v3 =	vor.u32 v3, v4  }
0x7c: {  	v4 =	vperm.xlane v3, v0;
	_ =	sdelay $0x1  }
0x7d: {  	v4 =	vadd.s32 v1, v4;
	_ =	sdelay $0x3  }
0x7e: {  	s1 =	simm.s32 $0xF100;
	v3 =	vperm.xlane v3, v2  }
0x7f: {  	[tilespmem:s1], [sflag:$0x3] =	stream.indirect_vreg.gather [hbm4b:s3+s2], $0x80, v4, vm0, $0xb8;
	[tilespmem:$0x18100] =	vst v63  }
0x80: {  	s12 =	simm.s32 $0xF900;
	v3 =	vadd.s32 v1, v3  }
0x81: {  	[tilespmem:s12], [sflag:$0x3] =	stream.indirect_vreg.gather [hbm4b:s6+s2], $0x80, v4, vm0, $0xb8;
	[tilespmem:$0x18100] =	vst v63  }
0x82: {  	s14 =	simm.s32 $0x10100  }
0x83: {  	[tilespmem:s14], [sflag:$0x3] =	stream.indirect_vreg.gather [hbm4b:s7+s2], $0x80, v4, vm0, $0xb8;
	[tilespmem:$0x18100] =	vst v63  }
0x84: {  	s29 =	simm.s32 $0x10900  }
0x85: {  	[tilespmem:s29], [sflag:$0x3] =	stream.indirect_vreg.gather [hbm4b:s3+s2], $0x80, v3, vm0, $0xb8;
	[tilespmem:$0x18100] =	vst v63  }
0x86: {  	s30 =	simm.s32 $0x11100  }
0x87: {  	[tilespmem:s30], [sflag:$0x3] =	stream.indirect_vreg.gather [hbm4b:s6+s2], $0x80, v3, vm0, $0xb8;
	[tilespmem:$0x18100] =	vst v63  }
0x88: {  	s31 =	simm.s32 $0x11900  }
0x89: {  	[tilespmem:s31], [sflag:$0x3] =	stream.indirect_vreg.gather [hbm4b:s7+s2], $0x80, v3, vm0, $0xb8;
	[tilespmem:$0x18100] =	vst v63  }
0x8a: {  	v3 =	vld [tilespmem:$0xA0];
	_ =	sdelay $0x4  }
0x8b: {  	v62 =	vshrl.u32 v3, $0x3  }
0x8c: {  	v4 =	vmul.u32 $0x30, v62  }
0x8d: {  	v3 =	vand.u32 $0x7, v3  }
0x8e: {  	v3 =	vor.u32 v3, v4  }
0x8f: {  	v4 =	vperm.xlane v3, v0;
	_ =	sdelay $0x1  }
0x90: {  	v4 =	vadd.s32 v1, v4;
	_ =	sdelay $0x3  }
0x91: {  	s1 =	simm.s32 $0x12100;
	v3 =	vperm.xlane v3, v2  }
0x92: {  	[tilespmem:s1], [sflag:$0x4] =	stream.indirect_vreg.gather [hbm4b:s3+s2], $0x80, v4, vm0, $0xb8;
	[tilespmem:$0x18100] =	vst v63  }
0x93: {  	s12 =	simm.s32 $0x12900;
	v3 =	vadd.s32 v1, v3  }
0x94: {  	[tilespmem:s12], [sflag:$0x4] =	stream.indirect_vreg.gather [hbm4b:s6+s2], $0x80, v4, vm0, $0xb8;
	[tilespmem:$0x18100] =	vst v63  }
0x95: {  	s14 =	simm.s32 $0x13100  }
0x96: {  	[tilespmem:s14], [sflag:$0x4] =	stream.indirect_vreg.gather [hbm4b:s7+s2], $0x80, v4, vm0, $0xb8;
	[tilespmem:$0x18100] =	vst v63  }
0x97: {  	s29 =	simm.s32 $0x13900  }
0x98: {  	[tilespmem:s29], [sflag:$0x4] =	stream.indirect_vreg.gather [hbm4b:s3+s2], $0x80, v3, vm0, $0xb8;
	[tilespmem:$0x18100] =	vst v63  }
0x99: {  	s30 =	simm.s32 $0x14100  }
0x9a: {  	[tilespmem:s30], [sflag:$0x4] =	stream.indirect_vreg.gather [hbm4b:s6+s2], $0x80, v3, vm0, $0xb8;
	[tilespmem:$0x18100] =	vst v63  }
0x9b: {  	s31 =	simm.s32 $0x14900  }
0x9c: {  	[tilespmem:s31], [sflag:$0x4] =	stream.indirect_vreg.gather [hbm4b:s7+s2], $0x80, v3, vm0, $0xb8;
	[tilespmem:$0x18100] =	vst v63  }
0x9d: {  	v3 =	vld [tilespmem:$0xB0];
	_ =	sdelay $0x4  }
0x9e: {  	v63 =	vshrl.u32 v3, $0x3  }
0x9f: {  	v4 =	vmul.u32 $0x30, v63  }
0xa0: {  	v3 =	vand.u32 $0x7, v3  }
0xa1: {  	v3 =	vor.u32 v3, v4  }
0xa2: {  	v4 =	vperm.xlane v3, v0;
	_ =	sdelay $0x1  }
0xa3: {  	v4 =	vadd.s32 v1, v4;
	_ =	sdelay $0x3  }
0xa4: {  	v3 =	vperm.xlane v3, v2  }
0xa5: {  	[tilespmem:s15], [sflag:$0x4] =	stream.indirect_vreg.gather [hbm4b:s3+s2], $0x80, v4, vm0, $0xb8;
	[tilespmem:$0x18100] =	vst v63  }
0xa6: {  	v3 =	vadd.s32 v1, v3  }
0xa7: {  	[tilespmem:s16], [sflag:$0x4] =	stream.indirect_vreg.gather [hbm4b:s6+s2], $0x80, v4, vm0, $0xb8;
	[tilespmem:$0x18100] =	vst v63  }
0xa8: {  	_ = 	snop  }
0xa9: {  	[tilespmem:s18], [sflag:$0x4] =	stream.indirect_vreg.gather [hbm4b:s7+s2], $0x80, v4, vm0, $0xb8;
	[tilespmem:$0x18100] =	vst v63  }
0xaa: {  	_ = 	snop  }
0xab: {  	[tilespmem:s19], [sflag:$0x4] =	stream.indirect_vreg.gather [hbm4b:s3+s2], $0x80, v3, vm0, $0xb8;
	[tilespmem:$0x18100] =	vst v63  }
0xac: {  	_ = 	snop  }
0xad: {  	[tilespmem:s20], [sflag:$0x4] =	stream.indirect_vreg.gather [hbm4b:s6+s2], $0x80, v3, vm0, $0xb8;
	[tilespmem:$0x18100] =	vst v63  }
0xae: {  	_ = 	snop  }
0xaf: {  	[tilespmem:s21], [sflag:$0x4] =	stream.indirect_vreg.gather [hbm4b:s7+s2], $0x80, v3, vm0, $0xb8;
	[tilespmem:$0x18100] =	vst v63  }
0xb0: {  	_ =	swait.ge [sflag:s22], $0x6000  }
0xb1: {  	[sflag:s22] =	ssyncset.done $0x0  }
0xb2: {  	[sflag:s22] =	ssyncadd.s32 $0xFFFFA000  }
0xb3: {  	_ =	swait.ge [sflag:s23], $0x6000  }
0xb4: {  	[sflag:s23] =	ssyncset.done $0x0  }
0xb5: {  	s28 =	simm.s32 $0x0;
	[sflag:s23] =	ssyncadd.s32 $0xFFFFA000  }
.LBB2_2:
0xb6: {  	s0 =	sshrl.u32 s28, $0x3  }
0xb7: {  	s1 =	sshll.u32 s28, $0x7;
	s0 =	smul.u32 $0x1800, s0  }
0xb8: {  	s12 =	simm.s32 $0x0;
	s1 =	sand.u32 $0x380, s1  }
0xb9: {  	s29 =	sor.u32 s1, s0;
	s1 =	sand.u32 $0x1C00, s12  }
0xba: {  	s14 =	sand.u32 $0x70, s12;
	s0 =	sadd.s32 s29, s1  }
0xbb: {  	s30 =	sor.u32 s14, s0  }
0xbc: {  	v3 =	vld [tilespmem:s30+$0x6100]  }
0xbd: {  	v4 =	vld [tilespmem:s30+$0x100];
	_ =	sdelay $0x2  }
0xbe: {  	s31 =	simm.s32 $0x80  }
0xbf: {  	s12 =	simm.s32 $0x10;
	s14 =	sand.u32 $0x1C00, s31  }
0xc0: {  	s1 =	sand.u32 $0x70, s12;
	s0 =	simm.s32 $0x20;
	s12 =	sadd.s32 s29, s14;
	v3 =	vadd.f32 v3, v4  }
.LBB2_3:
0xc1: {  	p0 =	sne.s32 s0, $0x2F0;
	s1 =	sor.u32 s1, s12  }
0xc2: {  	v4 =	vld [tilespmem:s1+$0x6100];
	[tilespmem:s30+$0x100] =	vst v3;
	s30 =	smov.u32 s1  }
0xc3: {  	v3 =	vld [tilespmem:s30+$0x100]  }
.Ltmp0:
0xc4: {  	(pc) =	sbr.rel @p0 .LBB2_3-.Ltmp0, $4  }
0xc5: {  	_ = 	snop  }
0xc6: {  	s31 =	sadd.s32 $0x80, s31  }
0xc7: {  	s12 =	sand.u32 $0x1C00, s31  }
0xc8: {  	s1 =	sand.u32 $0x70, s0;
	s0 =	sadd.s32 $0x10, s0;
	s12 =	sadd.s32 s29, s12;
	v3 =	vadd.f32 v4, v3  }
0xc9: {  	s0 =	sor.u32 s1, s12  }
0xca: {  	v4 =	vld [tilespmem:s0+$0x6100];
	[tilespmem:s30+$0x100] =	vst v3  }
0xcb: {  	v3 =	vld [tilespmem:s0+$0x100]  }
0xcc: {  	s28 =	sadd.s32 $0x1, s28  }
0xcd: {  	p0 =	sne.s32 s28, $0x20  }
.Ltmp1:
0xce: {  	_ = 	snop;
	(pc) =	sbr.rel @p0 .LBB2_2-.Ltmp1, $3  }
0xcf: {  	_ = 	snop  }
0xd0: {  	v3 =	vadd.f32 v4, v3;
	_ =	sdelay $0x1  }
0xd1: {  	[tilespmem:s0+$0x100] =	vst v3  }
0xd2: {  	s28 =	simm.s32 $0x0  }
0xd3: {  	[hbm4b:s8+s28] =	stream.linear.scatter [tilespmem:s13], [sflag:$0x5], $0x6000, $0x38;
	[tilespmem:$0x18100] =	vst v63  }
0xd4: {  	_ =	swait.ge [sflag:s11], $0x6000  }
0xd5: {  	[sflag:s11] =	ssyncset.done $0x0  }
0xd6: {  	[sflag:s11] =	ssyncadd.s32 $0xFFFFA000  }
0xd7: {  	_ =	swait.ge [sflag:s24], $0x6000  }
0xd8: {  	[sflag:s24] =	ssyncset.done $0x0  }
0xd9: {  	[sflag:s24] =	ssyncadd.s32 $0xFFFFA000  }
0xda: {  	_ =	swait.ge [sflag:s25], $0x6000  }
0xdb: {  	[sflag:s25] =	ssyncset.done $0x0  }
0xdc: {  	s29 =	simm.s32 $0x0;
	[sflag:s25] =	ssyncadd.s32 $0xFFFFA000  }
.LBB2_6:
0xdd: {  	s0 =	sshrl.u32 s29, $0x3  }
0xde: {  	s1 =	sshll.u32 s29, $0x7;
	s0 =	smul.u32 $0x1800, s0  }
0xdf: {  	s1 =	sand.u32 $0x380, s1  }
0xe0: {  	s12 =	sand.u32 $0x1C00, s28;
	s30 =	sor.u32 s1, s0  }
0xe1: {  	s14 =	sand.u32 $0x70, s28;
	s0 =	sadd.s32 s30, s12  }
0xe2: {  	s31 =	sor.u32 s14, s0  }
0xe3: {  	v3 =	vld [tilespmem:s31+$0x12100]  }
0xe4: {  	v4 =	vld [tilespmem:s31+$0xC100];
	_ =	sdelay $0x2  }
0xe5: {  	s0 =	simm.s32 $0x80  }
0xe6: {  	s12 =	simm.s32 $0x10;
	s14 =	sand.u32 $0x1C00, s0  }
0xe7: {  	s1 =	simm.s32 $0x20;
	s12 =	sand.u32 $0x70, s12;
	s14 =	sadd.s32 s30, s14;
	v3 =	vadd.f32 v3, v4  }
.LBB2_7:
0xe8: {  	p0 =	sne.s32 s1, $0x2F0;
	s12 =	sor.u32 s12, s14  }
0xe9: {  	v4 =	vld [tilespmem:s12+$0x12100];
	[tilespmem:s31+$0xC100] =	vst v3;
	s31 =	smov.u32 s12  }
0xea: {  	v3 =	vld [tilespmem:s31+$0xC100]  }
.Ltmp2:
0xeb: {  	(pc) =	sbr.rel @p0 .LBB2_7-.Ltmp2, $4  }
0xec: {  	_ = 	snop  }
0xed: {  	s0 =	sadd.s32 $0x80, s0  }
0xee: {  	s14 =	sand.u32 $0x1C00, s0  }
0xef: {  	s12 =	sand.u32 $0x70, s1;
	s1 =	sadd.s32 $0x10, s1;
	s14 =	sadd.s32 s30, s14;
	v3 =	vadd.f32 v4, v3  }
0xf0: {  	s0 =	sor.u32 s12, s14  }
0xf1: {  	v4 =	vld [tilespmem:s0+$0x12100];
	[tilespmem:s31+$0xC100] =	vst v3  }
0xf2: {  	v3 =	vld [tilespmem:s0+$0xC100]  }
0xf3: {  	s29 =	sadd.s32 $0x1, s29  }
0xf4: {  	p0 =	sne.s32 s29, $0x20  }
.Ltmp3:
0xf5: {  	_ = 	snop;
	(pc) =	sbr.rel @p0 .LBB2_6-.Ltmp3, $3  }
0xf6: {  	_ = 	snop  }
0xf7: {  	v3 =	vadd.f32 v4, v3;
	_ =	sdelay $0x1  }
0xf8: {  	[tilespmem:s0+$0xC100] =	vst v3  }
0xf9: {  	s26 =	sadd.s32 $0x1, s26  }
0xfa: {  	p0 =	sne.s32 s26, s10  }
.Ltmp4:
0xfb: {  	_ = 	snop;
	(pc) =	sbr.rel @p0 .LBB2_1-.Ltmp4, $4  }
0xfc: {  	[hbm4b:s9+s2] =	stream.linear.scatter [tilespmem:s17], [sflag:$0x5], $0x6000, $0x38;
	[tilespmem:$0x18100] =	vst v63  }
0xfd: {  	_ =	swait.ge [sflag:s11], $0x6000  }
0xfe: {  	[sflag:s11] =	ssyncset.done $0x0  }
0xff: {  	[sflag:s11] =	ssyncadd.s32 $0xFFFFA000  }
0x100: {  	_ =	sfence.sel $0x180000  }
0x101: {  	[bflag:$0x0] =	sbarrier.arrive $0xFFFF  }
0x102: {  	_ =	strace $0x9000004A  }
0x103: {  	s0 =	stileid.u32;
	[bflag:$0x2] =	sbarrier.arrive $0xFFFF  }
0x104: {  	p0 =	sne.s32 s0, $0x0;
	s0 =	rddreg [dreg:$0x2]  }
0x105: {  	s0 =	sadd.s32 @!p0 $0x100000, s0  }
0x106: {  	[sflag:s0] =	ssyncadd.tile.s32 @!p0 $0x1;
	_ =	shalt  }
.Lfunc_end2:
_tile_overlayer_lowered:
.L_overlay_start_2:
0x107: {  	(tag) =	ssettag $0x2  }
0x108: {  	s0 =	rddreg [dreg:$0x0];
	s2 =	stileid.u32  }
0x109: {  	s1 =	rddreg [dreg:$0x1];
	p0 =	sne.s32 s2, $0x0  }
0x10a: {  	s3 =	rddreg [dreg:$0x2];
	[bflag:$0x3] =	sbarrier.arrive $0xFFFF;
	s2 =	simm.s32 @!p0 $0x1C05  }
0x10b: {  	[timem:s3], [sflag:s2] =	dma.local @!p0 [hbm:s0], s1  }
0x10c: {  	s0 =	simm.s32 @!p0 $0x5  }
0x10d: {  	_ =	swait.ge @!p0 [sflag:s0], s1  }
0x10e: {  	s1 =	ssub.s32 @!p0 $0x0, s1;
	[sflag:s0] =	ssyncset.done @!p0 $0x0  }
0x10f: {  	[sflag:s0] =	ssyncadd.s32 @!p0 s1  }
0x110: {  	[bflag:$0x3] =	sbarrier.arrive $0xFFFF  }
0x111: {  	_ =	shalt  }

</sc_bundles>
